<compile_context>
chip_gen: v7x
topology: tpu7x:2x2x1
jax: 0.10.2.dev20260603
libtpu: 0.0.44.dev20260713+nightly
codegen_flags: <defaults>
</compile_context>

<pallas_src>
import functools

import jax
import jax.numpy as jnp
from jax.experimental import pallas as pl
from jax.experimental.pallas import tpu as pltpu
from jax.experimental.pallas import tpu_sc as plsc

_L = 5

_LOG2E = 1.4426950408889634
_LN2 = 0.6931471805599453


def _tanh_scalar(a):
    sgn = jnp.where(a >= 0.0, 1.0, -1.0)
    z = a * (sgn * 2.0)
    z = jnp.where(z > 17.0, 17.0, z)
    y = z * _LOG2E
    n = (y + 0.5).astype(jnp.int32)
    f = y - n.astype(jnp.float32)
    t = f * _LN2
    p = 1.0 + t * (1.0 + t * (0.5 + t * (1.0 / 6.0 + t * (1.0 / 24.0
        + t * (1.0 / 120.0)))))
    two_n = 1.0
    two_mn = 1.0
    for k in range(5):
        bit = (n & (1 << k)) != 0
        c = float(2.0 ** (2 ** k))
        two_n = two_n * jnp.where(bit, c, 1.0)
        two_mn = two_mn * jnp.where(bit, 1.0 / c, 1.0)
    d = p * two_n + 1.0
    r = 0.5 * two_mn
    for _ in range(6):
        r = r * (2.0 - d * r)
    return sgn * (1.0 - 2.0 * r)


def _sc_body(x_hbm, w_hbm, b_hbm, out_hbm, x_s, w_s, b_s, res_s, sem):
    c1 = pltpu.async_copy(x_hbm, x_s, sem)
    c2 = pltpu.async_copy(w_hbm, w_s, sem)
    c3 = pltpu.async_copy(b_hbm, b_s, sem)
    c1.wait()
    c2.wait()
    c3.wait()

    h = [x_s[i] for i in range(_L)]
    for layer in range(3):
        w_base = 25 * layer
        nxt = []
        for j in range(_L):
            acc = b_s[_L * layer + j]
            for i in range(_L):
                acc = acc + h[i] * w_s[w_base + _L * i + j]
            nxt.append(acc if layer == 2 else _tanh_scalar(acc))
        h = nxt

    for j in range(_L):
        res_s[j] = h[j]
    for j in range(_L, 8):
        res_s[j] = 0.0
    pltpu.sync_copy(res_s, out_hbm)


@functools.cache
def _sc_call():
    return functools.partial(
        pl.kernel,
        out_type=jax.ShapeDtypeStruct((8,), jnp.float32),
        mesh=plsc.ScalarSubcoreMesh(axis_name="c", num_cores=1),
        scratch_types=[
            pltpu.SMEM((_L,), jnp.float32),
            pltpu.SMEM((15 * _L,), jnp.float32),
            pltpu.SMEM((3 * _L,), jnp.float32),
            pltpu.SMEM((8,), jnp.float32),
            pltpu.SemaphoreType.DMA,
        ],
        compiler_params=pltpu.CompilerParams(
            needs_layout_passes=False,
            disable_bounds_checks=True,
            disable_semaphore_checks=True,
            skip_device_barrier=True,
        ),
    )(_sc_body)


def kernel(x, synapse_weights, neuron_biases, synapse_indices,
           input_indices, output_indices):
    del synapse_indices, input_indices, output_indices
    out = _sc_call()(x.astype(jnp.float32),
                     synapse_weights.astype(jnp.float32),
                     neuron_biases.astype(jnp.float32))
    return out[:_L]

# --- scband reference (transcript-rebuilt; emitter-appended) ---
"""Pipeline reference for scband-brain-39779987096272 (READ-ONLY COPY).

The authoritative reference and input builder live on the scoring server;
editing this copy changes nothing except your own understanding.
"""

import jax, jax.numpy as jnp
import numpy as np

NEURON_COUNT = 20
HIDDEN_NEURONS_LAYOUT = [5, 5]
INPUT_SIZE = 5
OUTPUT_SIZE = 5


def _build_topology():
    # mlp init strategy: neurons laid out [inputs | h1 | h2 | outputs]
    input_idx = np.arange(0, INPUT_SIZE)
    cur = INPUT_SIZE
    hidden = []
    for ls in HIDDEN_NEURONS_LAYOUT:
        hidden.append(np.arange(cur, cur + ls))
        cur += ls
    out_idx = np.arange(cur, cur + OUTPUT_SIZE)
    rows, cols = [], []
    layers = [input_idx] + hidden + [out_idx]
    for a, b in zip(layers[:-1], layers[1:]):
        for i in a:
            for j in b:
                rows.append(int(i))
                cols.append(int(j))
    syn = np.stack([np.array(rows, dtype=np.int32), np.array(cols, dtype=np.int32)])
    return input_idx, out_idx, syn


def setup_inputs(seed: int = 0) -> dict:
    key = jax.random.key(seed)
    k1, k2, k3 = jax.random.split(key, 3)
    input_idx, out_idx, syn = _build_topology()
    x = jax.random.normal(k1, (INPUT_SIZE,), dtype=jnp.float32)
    synapse_weights = jax.random.normal(k2, (syn.shape[1],), dtype=jnp.float32)
    neuron_biases = jax.random.normal(k3, (NEURON_COUNT - INPUT_SIZE,), dtype=jnp.float32)
    return {
        "x": x,
        "synapse_weights": synapse_weights,
        "neuron_biases": neuron_biases,
        "synapse_indices": jnp.asarray(syn, dtype=jnp.int32),
        "input_indices": jnp.asarray(input_idx, dtype=jnp.int32),
        "output_indices": jnp.asarray(out_idx, dtype=jnp.int32),
    }


def reference(x, synapse_weights, neuron_biases, synapse_indices, input_indices, output_indices):
    N = NEURON_COUNT
    vals = jnp.zeros((N,), jnp.float32).at[input_indices].set(x.reshape(-1))
    non_output_mask = jnp.ones((N,), dtype=bool).at[output_indices].set(False)
    # mlp layout: non-input neurons are exactly arange(INPUT_SIZE, N)
    bias_full = jnp.zeros((N,), jnp.float32).at[jnp.arange(INPUT_SIZE, N)].set(neuron_biases)
    src = synapse_indices[0]
    dst = synapse_indices[1]
    for step in range(3):
        contrib = vals[src] * synapse_weights          # gather over src neurons
        nxt = jnp.zeros((N,), jnp.float32).at[dst].add(contrib)  # scatter-add to dst neurons
        nxt = nxt + bias_full                          # biases added only to non-input neurons
        vals = jnp.where(non_output_mask, jnp.tanh(nxt), nxt)  # tanh everywhere except outputs
    return vals[output_indices]

if __name__ == "__main__":
    import jax
    _d = setup_inputs()
    print(jax.jit(kernel)(*tuple(_d.values())))

</pallas_src>

<mosaic_0001>
#map = affine_map<(d0) -> (0)>
module attributes {stable_mosaic.version = 14 : i64} {
  func.func @_sc_body(%arg0: i32, %arg1: memref<5xf32, #tpu.memory_space<hbm>>, %arg2: memref<75xf32, #tpu.memory_space<hbm>>, %arg3: memref<15xf32, #tpu.memory_space<hbm>>, %arg4: memref<8xf32, #tpu.memory_space<hbm>>, %arg5: memref<5xf32, #tpu.memory_space<smem>>, %arg6: memref<75xf32, #tpu.memory_space<smem>>, %arg7: memref<15xf32, #tpu.memory_space<smem>>, %arg8: memref<8xf32, #tpu.memory_space<smem>>, %arg9: memref<!tpu.dma_semaphore, #tpu.memory_space<semaphore_mem>>) attributes {dimension_semantics = [#tpu.dimension_semantics<core_parallel>], iteration_bounds = array<i64: 1>, scalar_prefetch = 0 : i64, scratch_operands = 5 : i64, tpu.core_type = #tpu.core_type<sc_scalar_subcore>, window_params = [{transform_indices = #map}, {transform_indices = #map}, {transform_indices = #map}, {transform_indices = #map}]} {
    tpu.enqueue_dma source(%arg1 : memref<5xf32, #tpu.memory_space<hbm>>) target(%arg5 : memref<5xf32, #tpu.memory_space<smem>>) target_semaphore(%arg9 : memref<!tpu.dma_semaphore, #tpu.memory_space<semaphore_mem>>)
    tpu.enqueue_dma source(%arg2 : memref<75xf32, #tpu.memory_space<hbm>>) target(%arg6 : memref<75xf32, #tpu.memory_space<smem>>) target_semaphore(%arg9 : memref<!tpu.dma_semaphore, #tpu.memory_space<semaphore_mem>>)
    tpu.enqueue_dma source(%arg3 : memref<15xf32, #tpu.memory_space<hbm>>) target(%arg7 : memref<15xf32, #tpu.memory_space<smem>>) target_semaphore(%arg9 : memref<!tpu.dma_semaphore, #tpu.memory_space<semaphore_mem>>)
    tpu.wait_dma2 semaphore(%arg9 : memref<!tpu.dma_semaphore, #tpu.memory_space<semaphore_mem>>) src(%arg1 : memref<5xf32, #tpu.memory_space<hbm>>) dst(%arg5 : memref<5xf32, #tpu.memory_space<smem>>)
    tpu.wait_dma2 semaphore(%arg9 : memref<!tpu.dma_semaphore, #tpu.memory_space<semaphore_mem>>) src(%arg2 : memref<75xf32, #tpu.memory_space<hbm>>) dst(%arg6 : memref<75xf32, #tpu.memory_space<smem>>)
    tpu.wait_dma2 semaphore(%arg9 : memref<!tpu.dma_semaphore, #tpu.memory_space<semaphore_mem>>) src(%arg3 : memref<15xf32, #tpu.memory_space<hbm>>) dst(%arg7 : memref<15xf32, #tpu.memory_space<smem>>)
    %get3A = arith.constant 0 : i32
    %get3A_0 = arith.index_cast %get3A : i32 to index
    %get3A_1 = memref.load %arg5[%get3A_0] : memref<5xf32, #tpu.memory_space<smem>>
    %get3A_2 = arith.constant 1 : i32
    %get3A_3 = arith.index_cast %get3A_2 : i32 to index
    %get3A_4 = memref.load %arg5[%get3A_3] : memref<5xf32, #tpu.memory_space<smem>>
    %get3A_5 = arith.constant 2 : i32
    %get3A_6 = arith.index_cast %get3A_5 : i32 to index
    %get3A_7 = memref.load %arg5[%get3A_6] : memref<5xf32, #tpu.memory_space<smem>>
    %get3A_8 = arith.constant 3 : i32
    %get3A_9 = arith.index_cast %get3A_8 : i32 to index
    %get3A_10 = memref.load %arg5[%get3A_9] : memref<5xf32, #tpu.memory_space<smem>>
    %get3A_11 = arith.constant 4 : i32
    %get3A_12 = arith.index_cast %get3A_11 : i32 to index
    %get3A_13 = memref.load %arg5[%get3A_12] : memref<5xf32, #tpu.memory_space<smem>>
    %get3A_14 = arith.constant 0 : i32
    %get3A_15 = arith.index_cast %get3A_14 : i32 to index
    %get3A_16 = memref.load %arg7[%get3A_15] : memref<15xf32, #tpu.memory_space<smem>>
    %get3A_17 = arith.constant 0 : i32
    %get3A_18 = arith.index_cast %get3A_17 : i32 to index
    %get3A_19 = memref.load %arg6[%get3A_18] : memref<75xf32, #tpu.memory_space<smem>>
    %mul3A = arith.mulf %get3A_1, %get3A_19 : f32
    %add3A = arith.addf %get3A_16, %mul3A : f32
    %get3A_20 = arith.constant 5 : i32
    %get3A_21 = arith.index_cast %get3A_20 : i32 to index
    %get3A_22 = memref.load %arg6[%get3A_21] : memref<75xf32, #tpu.memory_space<smem>>
    %mul3A_23 = arith.mulf %get3A_4, %get3A_22 : f32
    %add3A_24 = arith.addf %add3A, %mul3A_23 : f32
    %get3A_25 = arith.constant 10 : i32
    %get3A_26 = arith.index_cast %get3A_25 : i32 to index
    %get3A_27 = memref.load %arg6[%get3A_26] : memref<75xf32, #tpu.memory_space<smem>>
    %mul3A_28 = arith.mulf %get3A_7, %get3A_27 : f32
    %add3A_29 = arith.addf %add3A_24, %mul3A_28 : f32
    %get3A_30 = arith.constant 15 : i32
    %get3A_31 = arith.index_cast %get3A_30 : i32 to index
    %get3A_32 = memref.load %arg6[%get3A_31] : memref<75xf32, #tpu.memory_space<smem>>
    %mul3A_33 = arith.mulf %get3A_10, %get3A_32 : f32
    %add3A_34 = arith.addf %add3A_29, %mul3A_33 : f32
    %get3A_35 = arith.constant 20 : i32
    %get3A_36 = arith.index_cast %get3A_35 : i32 to index
    %get3A_37 = memref.load %arg6[%get3A_36] : memref<75xf32, #tpu.memory_space<smem>>
    %mul3A_38 = arith.mulf %get3A_13, %get3A_37 : f32
    %add3A_39 = arith.addf %add3A_34, %mul3A_38 : f32
    %ge3A = arith.constant 0.000000e+00 : f32
    %ge3A_40 = arith.cmpf oge, %add3A_39, %ge3A : f32
    %jit3A = arith.constant 1.000000e+00 : f32
    %jit3A_41 = arith.constant -1.000000e+00 : f32
    %select_n3A = arith.select %ge3A_40, %jit3A, %jit3A_41 : f32
    %mul3A_42 = arith.constant 2.000000e+00 : f32
    %mul3A_43 = arith.mulf %select_n3A, %mul3A_42 : f32
    %mul3A_44 = arith.mulf %add3A_39, %mul3A_43 : f32
    %gt3A = arith.constant 1.700000e+01 : f32
    %gt3A_45 = arith.cmpf ogt, %mul3A_44, %gt3A : f32
    %jit3A_46 = arith.constant 1.700000e+01 : f32
    %select_n3A_47 = arith.select %gt3A_45, %jit3A_46, %mul3A_44 : f32
    %mul3A_48 = arith.constant 1.44269502 : f32
    %mul3A_49 = arith.mulf %select_n3A_47, %mul3A_48 : f32
    %add3A_50 = arith.constant 5.000000e-01 : f32
    %add3A_51 = arith.addf %mul3A_49, %add3A_50 : f32
    %convert_element_type3A = arith.fptosi %add3A_51 : f32 to i32
    %convert_element_type3A_52 = arith.sitofp %convert_element_type3A : i32 to f32
    %sub3A = arith.subf %mul3A_49, %convert_element_type3A_52 : f32
    %mul3A_53 = arith.constant 0.693147182 : f32
    %mul3A_54 = arith.mulf %sub3A, %mul3A_53 : f32
    %mul3A_55 = arith.constant 0.00833333377 : f32
    %mul3A_56 = arith.mulf %mul3A_54, %mul3A_55 : f32
    %add3A_57 = arith.constant 0.0416666679 : f32
    %add3A_58 = arith.addf %add3A_57, %mul3A_56 : f32
    %mul3A_59 = arith.mulf %mul3A_54, %add3A_58 : f32
    %add3A_60 = arith.constant 0.166666672 : f32
    %add3A_61 = arith.addf %add3A_60, %mul3A_59 : f32
    %mul3A_62 = arith.mulf %mul3A_54, %add3A_61 : f32
    %add3A_63 = arith.constant 5.000000e-01 : f32
    %add3A_64 = arith.addf %add3A_63, %mul3A_62 : f32
    %mul3A_65 = arith.mulf %mul3A_54, %add3A_64 : f32
    %add3A_66 = arith.constant 1.000000e+00 : f32
    %add3A_67 = arith.addf %add3A_66, %mul3A_65 : f32
    %mul3A_68 = arith.mulf %mul3A_54, %add3A_67 : f32
    %add3A_69 = arith.constant 1.000000e+00 : f32
    %add3A_70 = arith.addf %add3A_69, %mul3A_68 : f32
    %and3A = arith.constant 1 : i32
    %and3A_71 = arith.andi %convert_element_type3A, %and3A : i32
    %ne3A = arith.constant 0 : i32
    %ne3A_72 = arith.cmpi ne, %and3A_71, %ne3A : i32
    %jit3A_73 = arith.constant 2.000000e+00 : f32
    %jit3A_74 = arith.constant 1.000000e+00 : f32
    %select_n3A_75 = arith.select %ne3A_72, %jit3A_73, %jit3A_74 : f32
    %mul3A_76 = arith.constant 1.000000e+00 : f32
    %mul3A_77 = arith.mulf %mul3A_76, %select_n3A_75 : f32
    %jit3A_78 = arith.constant 5.000000e-01 : f32
    %jit3A_79 = arith.constant 1.000000e+00 : f32
    %select_n3A_80 = arith.select %ne3A_72, %jit3A_78, %jit3A_79 : f32
    %mul3A_81 = arith.constant 1.000000e+00 : f32
    %mul3A_82 = arith.mulf %mul3A_81, %select_n3A_80 : f32
    %and3A_83 = arith.constant 2 : i32
    %and3A_84 = arith.andi %convert_element_type3A, %and3A_83 : i32
    %ne3A_85 = arith.constant 0 : i32
    %ne3A_86 = arith.cmpi ne, %and3A_84, %ne3A_85 : i32
    %jit3A_87 = arith.constant 4.000000e+00 : f32
    %jit3A_88 = arith.constant 1.000000e+00 : f32
    %select_n3A_89 = arith.select %ne3A_86, %jit3A_87, %jit3A_88 : f32
    %mul3A_90 = arith.mulf %mul3A_77, %select_n3A_89 : f32
    %jit3A_91 = arith.constant 2.500000e-01 : f32
    %jit3A_92 = arith.constant 1.000000e+00 : f32
    %select_n3A_93 = arith.select %ne3A_86, %jit3A_91, %jit3A_92 : f32
    %mul3A_94 = arith.mulf %mul3A_82, %select_n3A_93 : f32
    %and3A_95 = arith.constant 4 : i32
    %and3A_96 = arith.andi %convert_element_type3A, %and3A_95 : i32
    %ne3A_97 = arith.constant 0 : i32
    %ne3A_98 = arith.cmpi ne, %and3A_96, %ne3A_97 : i32
    %jit3A_99 = arith.constant 1.600000e+01 : f32
    %jit3A_100 = arith.constant 1.000000e+00 : f32
    %select_n3A_101 = arith.select %ne3A_98, %jit3A_99, %jit3A_100 : f32
    %mul3A_102 = arith.mulf %mul3A_90, %select_n3A_101 : f32
    %jit3A_103 = arith.constant 6.250000e-02 : f32
    %jit3A_104 = arith.constant 1.000000e+00 : f32
    %select_n3A_105 = arith.select %ne3A_98, %jit3A_103, %jit3A_104 : f32
    %mul3A_106 = arith.mulf %mul3A_94, %select_n3A_105 : f32
    %and3A_107 = arith.constant 8 : i32
    %and3A_108 = arith.andi %convert_element_type3A, %and3A_107 : i32
    %ne3A_109 = arith.constant 0 : i32
    %ne3A_110 = arith.cmpi ne, %and3A_108, %ne3A_109 : i32
    %jit3A_111 = arith.constant 2.560000e+02 : f32
    %jit3A_112 = arith.constant 1.000000e+00 : f32
    %select_n3A_113 = arith.select %ne3A_110, %jit3A_111, %jit3A_112 : f32
    %mul3A_114 = arith.mulf %mul3A_102, %select_n3A_113 : f32
    %jit3A_115 = arith.constant 3.906250e-03 : f32
    %jit3A_116 = arith.constant 1.000000e+00 : f32
    %select_n3A_117 = arith.select %ne3A_110, %jit3A_115, %jit3A_116 : f32
    %mul3A_118 = arith.mulf %mul3A_106, %select_n3A_117 : f32
    %and3A_119 = arith.constant 16 : i32
    %and3A_120 = arith.andi %convert_element_type3A, %and3A_119 : i32
    %ne3A_121 = arith.constant 0 : i32
    %ne3A_122 = arith.cmpi ne, %and3A_120, %ne3A_121 : i32
    %jit3A_123 = arith.constant 6.553600e+04 : f32
    %jit3A_124 = arith.constant 1.000000e+00 : f32
    %select_n3A_125 = arith.select %ne3A_122, %jit3A_123, %jit3A_124 : f32
    %mul3A_126 = arith.mulf %mul3A_114, %select_n3A_125 : f32
    %jit3A_127 = arith.constant 1.52587891E-5 : f32
    %jit3A_128 = arith.constant 1.000000e+00 : f32
    %select_n3A_129 = arith.select %ne3A_122, %jit3A_127, %jit3A_128 : f32
    %mul3A_130 = arith.mulf %mul3A_118, %select_n3A_129 : f32
    %mul3A_131 = arith.mulf %add3A_70, %mul3A_126 : f32
    %add3A_132 = arith.constant 1.000000e+00 : f32
    %add3A_133 = arith.addf %mul3A_131, %add3A_132 : f32
    %mul3A_134 = arith.constant 5.000000e-01 : f32
    %mul3A_135 = arith.mulf %mul3A_134, %mul3A_130 : f32
    %mul3A_136 = arith.mulf %add3A_133, %mul3A_135 : f32
    %sub3A_137 = arith.constant 2.000000e+00 : f32
    %sub3A_138 = arith.subf %sub3A_137, %mul3A_136 : f32
    %mul3A_139 = arith.mulf %mul3A_135, %sub3A_138 : f32
    %mul3A_140 = arith.mulf %add3A_133, %mul3A_139 : f32
    %sub3A_141 = arith.constant 2.000000e+00 : f32
    %sub3A_142 = arith.subf %sub3A_141, %mul3A_140 : f32
    %mul3A_143 = arith.mulf %mul3A_139, %sub3A_142 : f32
    %mul3A_144 = arith.mulf %add3A_133, %mul3A_143 : f32
    %sub3A_145 = arith.constant 2.000000e+00 : f32
    %sub3A_146 = arith.subf %sub3A_145, %mul3A_144 : f32
    %mul3A_147 = arith.mulf %mul3A_143, %sub3A_146 : f32
    %mul3A_148 = arith.mulf %add3A_133, %mul3A_147 : f32
    %sub3A_149 = arith.constant 2.000000e+00 : f32
    %sub3A_150 = arith.subf %sub3A_149, %mul3A_148 : f32
    %mul3A_151 = arith.mulf %mul3A_147, %sub3A_150 : f32
    %mul3A_152 = arith.mulf %add3A_133, %mul3A_151 : f32
    %sub3A_153 = arith.constant 2.000000e+00 : f32
    %sub3A_154 = arith.subf %sub3A_153, %mul3A_152 : f32
    %mul3A_155 = arith.mulf %mul3A_151, %sub3A_154 : f32
    %mul3A_156 = arith.mulf %add3A_133, %mul3A_155 : f32
    %sub3A_157 = arith.constant 2.000000e+00 : f32
    %sub3A_158 = arith.subf %sub3A_157, %mul3A_156 : f32
    %mul3A_159 = arith.mulf %mul3A_155, %sub3A_158 : f32
    %mul3A_160 = arith.constant 2.000000e+00 : f32
    %mul3A_161 = arith.mulf %mul3A_160, %mul3A_159 : f32
    %sub3A_162 = arith.constant 1.000000e+00 : f32
    %sub3A_163 = arith.subf %sub3A_162, %mul3A_161 : f32
    %mul3A_164 = arith.mulf %select_n3A, %sub3A_163 : f32
    %get3A_165 = arith.constant 1 : i32
    %get3A_166 = arith.index_cast %get3A_165 : i32 to index
    %get3A_167 = memref.load %arg7[%get3A_166] : memref<15xf32, #tpu.memory_space<smem>>
    %get3A_168 = arith.constant 1 : i32
    %get3A_169 = arith.index_cast %get3A_168 : i32 to index
    %get3A_170 = memref.load %arg6[%get3A_169] : memref<75xf32, #tpu.memory_space<smem>>
    %mul3A_171 = arith.mulf %get3A_1, %get3A_170 : f32
    %add3A_172 = arith.addf %get3A_167, %mul3A_171 : f32
    %get3A_173 = arith.constant 6 : i32
    %get3A_174 = arith.index_cast %get3A_173 : i32 to index
    %get3A_175 = memref.load %arg6[%get3A_174] : memref<75xf32, #tpu.memory_space<smem>>
    %mul3A_176 = arith.mulf %get3A_4, %get3A_175 : f32
    %add3A_177 = arith.addf %add3A_172, %mul3A_176 : f32
    %get3A_178 = arith.constant 11 : i32
    %get3A_179 = arith.index_cast %get3A_178 : i32 to index
    %get3A_180 = memref.load %arg6[%get3A_179] : memref<75xf32, #tpu.memory_space<smem>>
    %mul3A_181 = arith.mulf %get3A_7, %get3A_180 : f32
    %add3A_182 = arith.addf %add3A_177, %mul3A_181 : f32
    %get3A_183 = arith.constant 16 : i32
    %get3A_184 = arith.index_cast %get3A_183 : i32 to index
    %get3A_185 = memref.load %arg6[%get3A_184] : memref<75xf32, #tpu.memory_space<smem>>
    %mul3A_186 = arith.mulf %get3A_10, %get3A_185 : f32
    %add3A_187 = arith.addf %add3A_182, %mul3A_186 : f32
    %get3A_188 = arith.constant 21 : i32
    %get3A_189 = arith.index_cast %get3A_188 : i32 to index
    %get3A_190 = memref.load %arg6[%get3A_189] : memref<75xf32, #tpu.memory_space<smem>>
    %mul3A_191 = arith.mulf %get3A_13, %get3A_190 : f32
    %add3A_192 = arith.addf %add3A_187, %mul3A_191 : f32
    %ge3A_193 = arith.constant 0.000000e+00 : f32
    %ge3A_194 = arith.cmpf oge, %add3A_192, %ge3A_193 : f32
    %jit3A_195 = arith.constant 1.000000e+00 : f32
    %jit3A_196 = arith.constant -1.000000e+00 : f32
    %select_n3A_197 = arith.select %ge3A_194, %jit3A_195, %jit3A_196 : f32
    %mul3A_198 = arith.constant 2.000000e+00 : f32
    %mul3A_199 = arith.mulf %select_n3A_197, %mul3A_198 : f32
    %mul3A_200 = arith.mulf %add3A_192, %mul3A_199 : f32
    %gt3A_201 = arith.constant 1.700000e+01 : f32
    %gt3A_202 = arith.cmpf ogt, %mul3A_200, %gt3A_201 : f32
    %jit3A_203 = arith.constant 1.700000e+01 : f32
    %select_n3A_204 = arith.select %gt3A_202, %jit3A_203, %mul3A_200 : f32
    %mul3A_205 = arith.constant 1.44269502 : f32
    %mul3A_206 = arith.mulf %select_n3A_204, %mul3A_205 : f32
    %add3A_207 = arith.constant 5.000000e-01 : f32
    %add3A_208 = arith.addf %mul3A_206, %add3A_207 : f32
    %convert_element_type3A_209 = arith.fptosi %add3A_208 : f32 to i32
    %convert_element_type3A_210 = arith.sitofp %convert_element_type3A_209 : i32 to f32
    %sub3A_211 = arith.subf %mul3A_206, %convert_element_type3A_210 : f32
    %mul3A_212 = arith.constant 0.693147182 : f32
    %mul3A_213 = arith.mulf %sub3A_211, %mul3A_212 : f32
    %mul3A_214 = arith.constant 0.00833333377 : f32
    %mul3A_215 = arith.mulf %mul3A_213, %mul3A_214 : f32
    %add3A_216 = arith.constant 0.0416666679 : f32
    %add3A_217 = arith.addf %add3A_216, %mul3A_215 : f32
    %mul3A_218 = arith.mulf %mul3A_213, %add3A_217 : f32
    %add3A_219 = arith.constant 0.166666672 : f32
    %add3A_220 = arith.addf %add3A_219, %mul3A_218 : f32
    %mul3A_221 = arith.mulf %mul3A_213, %add3A_220 : f32
    %add3A_222 = arith.constant 5.000000e-01 : f32
    %add3A_223 = arith.addf %add3A_222, %mul3A_221 : f32
    %mul3A_224 = arith.mulf %mul3A_213, %add3A_223 : f32
    %add3A_225 = arith.constant 1.000000e+00 : f32
    %add3A_226 = arith.addf %add3A_225, %mul3A_224 : f32
    %mul3A_227 = arith.mulf %mul3A_213, %add3A_226 : f32
    %add3A_228 = arith.constant 1.000000e+00 : f32
    %add3A_229 = arith.addf %add3A_228, %mul3A_227 : f32
    %and3A_230 = arith.constant 1 : i32
    %and3A_231 = arith.andi %convert_element_type3A_209, %and3A_230 : i32
    %ne3A_232 = arith.constant 0 : i32
    %ne3A_233 = arith.cmpi ne, %and3A_231, %ne3A_232 : i32
    %jit3A_234 = arith.constant 2.000000e+00 : f32
    %jit3A_235 = arith.constant 1.000000e+00 : f32
    %select_n3A_236 = arith.select %ne3A_233, %jit3A_234, %jit3A_235 : f32
    %mul3A_237 = arith.constant 1.000000e+00 : f32
    %mul3A_238 = arith.mulf %mul3A_237, %select_n3A_236 : f32
    %jit3A_239 = arith.constant 5.000000e-01 : f32
    %jit3A_240 = arith.constant 1.000000e+00 : f32
    %select_n3A_241 = arith.select %ne3A_233, %jit3A_239, %jit3A_240 : f32
    %mul3A_242 = arith.constant 1.000000e+00 : f32
    %mul3A_243 = arith.mulf %mul3A_242, %select_n3A_241 : f32
    %and3A_244 = arith.constant 2 : i32
    %and3A_245 = arith.andi %convert_element_type3A_209, %and3A_244 : i32
    %ne3A_246 = arith.constant 0 : i32
    %ne3A_247 = arith.cmpi ne, %and3A_245, %ne3A_246 : i32
    %jit3A_248 = arith.constant 4.000000e+00 : f32
    %jit3A_249 = arith.constant 1.000000e+00 : f32
    %select_n3A_250 = arith.select %ne3A_247, %jit3A_248, %jit3A_249 : f32
    %mul3A_251 = arith.mulf %mul3A_238, %select_n3A_250 : f32
    %jit3A_252 = arith.constant 2.500000e-01 : f32
    %jit3A_253 = arith.constant 1.000000e+00 : f32
    %select_n3A_254 = arith.select %ne3A_247, %jit3A_252, %jit3A_253 : f32
    %mul3A_255 = arith.mulf %mul3A_243, %select_n3A_254 : f32
    %and3A_256 = arith.constant 4 : i32
    %and3A_257 = arith.andi %convert_element_type3A_209, %and3A_256 : i32
    %ne3A_258 = arith.constant 0 : i32
    %ne3A_259 = arith.cmpi ne, %and3A_257, %ne3A_258 : i32
    %jit3A_260 = arith.constant 1.600000e+01 : f32
    %jit3A_261 = arith.constant 1.000000e+00 : f32
    %select_n3A_262 = arith.select %ne3A_259, %jit3A_260, %jit3A_261 : f32
    %mul3A_263 = arith.mulf %mul3A_251, %select_n3A_262 : f32
    %jit3A_264 = arith.constant 6.250000e-02 : f32
    %jit3A_265 = arith.constant 1.000000e+00 : f32
    %select_n3A_266 = arith.select %ne3A_259, %jit3A_264, %jit3A_265 : f32
    %mul3A_267 = arith.mulf %mul3A_255, %select_n3A_266 : f32
    %and3A_268 = arith.constant 8 : i32
    %and3A_269 = arith.andi %convert_element_type3A_209, %and3A_268 : i32
    %ne3A_270 = arith.constant 0 : i32
    %ne3A_271 = arith.cmpi ne, %and3A_269, %ne3A_270 : i32
    %jit3A_272 = arith.constant 2.560000e+02 : f32
    %jit3A_273 = arith.constant 1.000000e+00 : f32
    %select_n3A_274 = arith.select %ne3A_271, %jit3A_272, %jit3A_273 : f32
    %mul3A_275 = arith.mulf %mul3A_263, %select_n3A_274 : f32
    %jit3A_276 = arith.constant 3.906250e-03 : f32
    %jit3A_277 = arith.constant 1.000000e+00 : f32
    %select_n3A_278 = arith.select %ne3A_271, %jit3A_276, %jit3A_277 : f32
    %mul3A_279 = arith.mulf %mul3A_267, %select_n3A_278 : f32
    %and3A_280 = arith.constant 16 : i32
    %and3A_281 = arith.andi %convert_element_type3A_209, %and3A_280 : i32
    %ne3A_282 = arith.constant 0 : i32
    %ne3A_283 = arith.cmpi ne, %and3A_281, %ne3A_282 : i32
    %jit3A_284 = arith.constant 6.553600e+04 : f32
    %jit3A_285 = arith.constant 1.000000e+00 : f32
    %select_n3A_286 = arith.select %ne3A_283, %jit3A_284, %jit3A_285 : f32
    %mul3A_287 = arith.mulf %mul3A_275, %select_n3A_286 : f32
    %jit3A_288 = arith.constant 1.52587891E-5 : f32
    %jit3A_289 = arith.constant 1.000000e+00 : f32
    %select_n3A_290 = arith.select %ne3A_283, %jit3A_288, %jit3A_289 : f32
    %mul3A_291 = arith.mulf %mul3A_279, %select_n3A_290 : f32
    %mul3A_292 = arith.mulf %add3A_229, %mul3A_287 : f32
    %add3A_293 = arith.constant 1.000000e+00 : f32
    %add3A_294 = arith.addf %mul3A_292, %add3A_293 : f32
    %mul3A_295 = arith.constant 5.000000e-01 : f32
    %mul3A_296 = arith.mulf %mul3A_295, %mul3A_291 : f32
    %mul3A_297 = arith.mulf %add3A_294, %mul3A_296 : f32
    %sub3A_298 = arith.constant 2.000000e+00 : f32
    %sub3A_299 = arith.subf %sub3A_298, %mul3A_297 : f32
    %mul3A_300 = arith.mulf %mul3A_296, %sub3A_299 : f32
    %mul3A_301 = arith.mulf %add3A_294, %mul3A_300 : f32
    %sub3A_302 = arith.constant 2.000000e+00 : f32
    %sub3A_303 = arith.subf %sub3A_302, %mul3A_301 : f32
    %mul3A_304 = arith.mulf %mul3A_300, %sub3A_303 : f32
    %mul3A_305 = arith.mulf %add3A_294, %mul3A_304 : f32
    %sub3A_306 = arith.constant 2.000000e+00 : f32
    %sub3A_307 = arith.subf %sub3A_306, %mul3A_305 : f32
    %mul3A_308 = arith.mulf %mul3A_304, %sub3A_307 : f32
    %mul3A_309 = arith.mulf %add3A_294, %mul3A_308 : f32
    %sub3A_310 = arith.constant 2.000000e+00 : f32
    %sub3A_311 = arith.subf %sub3A_310, %mul3A_309 : f32
    %mul3A_312 = arith.mulf %mul3A_308, %sub3A_311 : f32
    %mul3A_313 = arith.mulf %add3A_294, %mul3A_312 : f32
    %sub3A_314 = arith.constant 2.000000e+00 : f32
    %sub3A_315 = arith.subf %sub3A_314, %mul3A_313 : f32
    %mul3A_316 = arith.mulf %mul3A_312, %sub3A_315 : f32
    %mul3A_317 = arith.mulf %add3A_294, %mul3A_316 : f32
    %sub3A_318 = arith.constant 2.000000e+00 : f32
    %sub3A_319 = arith.subf %sub3A_318, %mul3A_317 : f32
    %mul3A_320 = arith.mulf %mul3A_316, %sub3A_319 : f32
    %mul3A_321 = arith.constant 2.000000e+00 : f32
    %mul3A_322 = arith.mulf %mul3A_321, %mul3A_320 : f32
    %sub3A_323 = arith.constant 1.000000e+00 : f32
    %sub3A_324 = arith.subf %sub3A_323, %mul3A_322 : f32
    %mul3A_325 = arith.mulf %select_n3A_197, %sub3A_324 : f32
    %get3A_326 = arith.constant 2 : i32
    %get3A_327 = arith.index_cast %get3A_326 : i32 to index
    %get3A_328 = memref.load %arg7[%get3A_327] : memref<15xf32, #tpu.memory_space<smem>>
    %get3A_329 = arith.constant 2 : i32
    %get3A_330 = arith.index_cast %get3A_329 : i32 to index
    %get3A_331 = memref.load %arg6[%get3A_330] : memref<75xf32, #tpu.memory_space<smem>>
    %mul3A_332 = arith.mulf %get3A_1, %get3A_331 : f32
    %add3A_333 = arith.addf %get3A_328, %mul3A_332 : f32
    %get3A_334 = arith.constant 7 : i32
    %get3A_335 = arith.index_cast %get3A_334 : i32 to index
    %get3A_336 = memref.load %arg6[%get3A_335] : memref<75xf32, #tpu.memory_space<smem>>
    %mul3A_337 = arith.mulf %get3A_4, %get3A_336 : f32
    %add3A_338 = arith.addf %add3A_333, %mul3A_337 : f32
    %get3A_339 = arith.constant 12 : i32
    %get3A_340 = arith.index_cast %get3A_339 : i32 to index
    %get3A_341 = memref.load %arg6[%get3A_340] : memref<75xf32, #tpu.memory_space<smem>>
    %mul3A_342 = arith.mulf %get3A_7, %get3A_341 : f32
    %add3A_343 = arith.addf %add3A_338, %mul3A_342 : f32
    %get3A_344 = arith.constant 17 : i32
    %get3A_345 = arith.index_cast %get3A_344 : i32 to index
    %get3A_346 = memref.load %arg6[%get3A_345] : memref<75xf32, #tpu.memory_space<smem>>
    %mul3A_347 = arith.mulf %get3A_10, %get3A_346 : f32
    %add3A_348 = arith.addf %add3A_343, %mul3A_347 : f32
    %get3A_349 = arith.constant 22 : i32
    %get3A_350 = arith.index_cast %get3A_349 : i32 to index
    %get3A_351 = memref.load %arg6[%get3A_350] : memref<75xf32, #tpu.memory_space<smem>>
    %mul3A_352 = arith.mulf %get3A_13, %get3A_351 : f32
    %add3A_353 = arith.addf %add3A_348, %mul3A_352 : f32
    %ge3A_354 = arith.constant 0.000000e+00 : f32
    %ge3A_355 = arith.cmpf oge, %add3A_353, %ge3A_354 : f32
    %jit3A_356 = arith.constant 1.000000e+00 : f32
    %jit3A_357 = arith.constant -1.000000e+00 : f32
    %select_n3A_358 = arith.select %ge3A_355, %jit3A_356, %jit3A_357 : f32
    %mul3A_359 = arith.constant 2.000000e+00 : f32
    %mul3A_360 = arith.mulf %select_n3A_358, %mul3A_359 : f32
    %mul3A_361 = arith.mulf %add3A_353, %mul3A_360 : f32
    %gt3A_362 = arith.constant 1.700000e+01 : f32
    %gt3A_363 = arith.cmpf ogt, %mul3A_361, %gt3A_362 : f32
    %jit3A_364 = arith.constant 1.700000e+01 : f32
    %select_n3A_365 = arith.select %gt3A_363, %jit3A_364, %mul3A_361 : f32
    %mul3A_366 = arith.constant 1.44269502 : f32
    %mul3A_367 = arith.mulf %select_n3A_365, %mul3A_366 : f32
    %add3A_368 = arith.constant 5.000000e-01 : f32
    %add3A_369 = arith.addf %mul3A_367, %add3A_368 : f32
    %convert_element_type3A_370 = arith.fptosi %add3A_369 : f32 to i32
    %convert_element_type3A_371 = arith.sitofp %convert_element_type3A_370 : i32 to f32
    %sub3A_372 = arith.subf %mul3A_367, %convert_element_type3A_371 : f32
    %mul3A_373 = arith.constant 0.693147182 : f32
    %mul3A_374 = arith.mulf %sub3A_372, %mul3A_373 : f32
    %mul3A_375 = arith.constant 0.00833333377 : f32
    %mul3A_376 = arith.mulf %mul3A_374, %mul3A_375 : f32
    %add3A_377 = arith.constant 0.0416666679 : f32
    %add3A_378 = arith.addf %add3A_377, %mul3A_376 : f32
    %mul3A_379 = arith.mulf %mul3A_374, %add3A_378 : f32
    %add3A_380 = arith.constant 0.166666672 : f32
    %add3A_381 = arith.addf %add3A_380, %mul3A_379 : f32
    %mul3A_382 = arith.mulf %mul3A_374, %add3A_381 : f32
    %add3A_383 = arith.constant 5.000000e-01 : f32
    %add3A_384 = arith.addf %add3A_383, %mul3A_382 : f32
    %mul3A_385 = arith.mulf %mul3A_374, %add3A_384 : f32
    %add3A_386 = arith.constant 1.000000e+00 : f32
    %add3A_387 = arith.addf %add3A_386, %mul3A_385 : f32
    %mul3A_388 = arith.mulf %mul3A_374, %add3A_387 : f32
    %add3A_389 = arith.constant 1.000000e+00 : f32
    %add3A_390 = arith.addf %add3A_389, %mul3A_388 : f32
    %and3A_391 = arith.constant 1 : i32
    %and3A_392 = arith.andi %convert_element_type3A_370, %and3A_391 : i32
    %ne3A_393 = arith.constant 0 : i32
    %ne3A_394 = arith.cmpi ne, %and3A_392, %ne3A_393 : i32
    %jit3A_395 = arith.constant 2.000000e+00 : f32
    %jit3A_396 = arith.constant 1.000000e+00 : f32
    %select_n3A_397 = arith.select %ne3A_394, %jit3A_395, %jit3A_396 : f32
    %mul3A_398 = arith.constant 1.000000e+00 : f32
    %mul3A_399 = arith.mulf %mul3A_398, %select_n3A_397 : f32
    %jit3A_400 = arith.constant 5.000000e-01 : f32
    %jit3A_401 = arith.constant 1.000000e+00 : f32
    %select_n3A_402 = arith.select %ne3A_394, %jit3A_400, %jit3A_401 : f32
    %mul3A_403 = arith.constant 1.000000e+00 : f32
    %mul3A_404 = arith.mulf %mul3A_403, %select_n3A_402 : f32
    %and3A_405 = arith.constant 2 : i32
    %and3A_406 = arith.andi %convert_element_type3A_370, %and3A_405 : i32
    %ne3A_407 = arith.constant 0 : i32
    %ne3A_408 = arith.cmpi ne, %and3A_406, %ne3A_407 : i32
    %jit3A_409 = arith.constant 4.000000e+00 : f32
    %jit3A_410 = arith.constant 1.000000e+00 : f32
    %select_n3A_411 = arith.select %ne3A_408, %jit3A_409, %jit3A_410 : f32
    %mul3A_412 = arith.mulf %mul3A_399, %select_n3A_411 : f32
    %jit3A_413 = arith.constant 2.500000e-01 : f32
    %jit3A_414 = arith.constant 1.000000e+00 : f32
    %select_n3A_415 = arith.select %ne3A_408, %jit3A_413, %jit3A_414 : f32
    %mul3A_416 = arith.mulf %mul3A_404, %select_n3A_415 : f32
    %and3A_417 = arith.constant 4 : i32
    %and3A_418 = arith.andi %convert_element_type3A_370, %and3A_417 : i32
    %ne3A_419 = arith.constant 0 : i32
    %ne3A_420 = arith.cmpi ne, %and3A_418, %ne3A_419 : i32
    %jit3A_421 = arith.constant 1.600000e+01 : f32
    %jit3A_422 = arith.constant 1.000000e+00 : f32
    %select_n3A_423 = arith.select %ne3A_420, %jit3A_421, %jit3A_422 : f32
    %mul3A_424 = arith.mulf %mul3A_412, %select_n3A_423 : f32
    %jit3A_425 = arith.constant 6.250000e-02 : f32
    %jit3A_426 = arith.constant 1.000000e+00 : f32
    %select_n3A_427 = arith.select %ne3A_420, %jit3A_425, %jit3A_426 : f32
    %mul3A_428 = arith.mulf %mul3A_416, %select_n3A_427 : f32
    %and3A_429 = arith.constant 8 : i32
    %and3A_430 = arith.andi %convert_element_type3A_370, %and3A_429 : i32
    %ne3A_431 = arith.constant 0 : i32
    %ne3A_432 = arith.cmpi ne, %and3A_430, %ne3A_431 : i32
    %jit3A_433 = arith.constant 2.560000e+02 : f32
    %jit3A_434 = arith.constant 1.000000e+00 : f32
    %select_n3A_435 = arith.select %ne3A_432, %jit3A_433, %jit3A_434 : f32
    %mul3A_436 = arith.mulf %mul3A_424, %select_n3A_435 : f32
    %jit3A_437 = arith.constant 3.906250e-03 : f32
    %jit3A_438 = arith.constant 1.000000e+00 : f32
    %select_n3A_439 = arith.select %ne3A_432, %jit3A_437, %jit3A_438 : f32
    %mul3A_440 = arith.mulf %mul3A_428, %select_n3A_439 : f32
    %and3A_441 = arith.constant 16 : i32
    %and3A_442 = arith.andi %convert_element_type3A_370, %and3A_441 : i32
    %ne3A_443 = arith.constant 0 : i32
    %ne3A_444 = arith.cmpi ne, %and3A_442, %ne3A_443 : i32
    %jit3A_445 = arith.constant 6.553600e+04 : f32
    %jit3A_446 = arith.constant 1.000000e+00 : f32
    %select_n3A_447 = arith.select %ne3A_444, %jit3A_445, %jit3A_446 : f32
    %mul3A_448 = arith.mulf %mul3A_436, %select_n3A_447 : f32
    %jit3A_449 = arith.constant 1.52587891E-5 : f32
    %jit3A_450 = arith.constant 1.000000e+00 : f32
    %select_n3A_451 = arith.select %ne3A_444, %jit3A_449, %jit3A_450 : f32
    %mul3A_452 = arith.mulf %mul3A_440, %select_n3A_451 : f32
    %mul3A_453 = arith.mulf %add3A_390, %mul3A_448 : f32
    %add3A_454 = arith.constant 1.000000e+00 : f32
    %add3A_455 = arith.addf %mul3A_453, %add3A_454 : f32
    %mul3A_456 = arith.constant 5.000000e-01 : f32
    %mul3A_457 = arith.mulf %mul3A_456, %mul3A_452 : f32
    %mul3A_458 = arith.mulf %add3A_455, %mul3A_457 : f32
    %sub3A_459 = arith.constant 2.000000e+00 : f32
    %sub3A_460 = arith.subf %sub3A_459, %mul3A_458 : f32
    %mul3A_461 = arith.mulf %mul3A_457, %sub3A_460 : f32
    %mul3A_462 = arith.mulf %add3A_455, %mul3A_461 : f32
    %sub3A_463 = arith.constant 2.000000e+00 : f32
    %sub3A_464 = arith.subf %sub3A_463, %mul3A_462 : f32
    %mul3A_465 = arith.mulf %mul3A_461, %sub3A_464 : f32
    %mul3A_466 = arith.mulf %add3A_455, %mul3A_465 : f32
    %sub3A_467 = arith.constant 2.000000e+00 : f32
    %sub3A_468 = arith.subf %sub3A_467, %mul3A_466 : f32
    %mul3A_469 = arith.mulf %mul3A_465, %sub3A_468 : f32
    %mul3A_470 = arith.mulf %add3A_455, %mul3A_469 : f32
    %sub3A_471 = arith.constant 2.000000e+00 : f32
    %sub3A_472 = arith.subf %sub3A_471, %mul3A_470 : f32
    %mul3A_473 = arith.mulf %mul3A_469, %sub3A_472 : f32
    %mul3A_474 = arith.mulf %add3A_455, %mul3A_473 : f32
    %sub3A_475 = arith.constant 2.000000e+00 : f32
    %sub3A_476 = arith.subf %sub3A_475, %mul3A_474 : f32
    %mul3A_477 = arith.mulf %mul3A_473, %sub3A_476 : f32
    %mul3A_478 = arith.mulf %add3A_455, %mul3A_477 : f32
    %sub3A_479 = arith.constant 2.000000e+00 : f32
    %sub3A_480 = arith.subf %sub3A_479, %mul3A_478 : f32
    %mul3A_481 = arith.mulf %mul3A_477, %sub3A_480 : f32
    %mul3A_482 = arith.constant 2.000000e+00 : f32
    %mul3A_483 = arith.mulf %mul3A_482, %mul3A_481 : f32
    %sub3A_484 = arith.constant 1.000000e+00 : f32
    %sub3A_485 = arith.subf %sub3A_484, %mul3A_483 : f32
    %mul3A_486 = arith.mulf %select_n3A_358, %sub3A_485 : f32
    %get3A_487 = arith.constant 3 : i32
    %get3A_488 = arith.index_cast %get3A_487 : i32 to index
    %get3A_489 = memref.load %arg7[%get3A_488] : memref<15xf32, #tpu.memory_space<smem>>
    %get3A_490 = arith.constant 3 : i32
    %get3A_491 = arith.index_cast %get3A_490 : i32 to index
    %get3A_492 = memref.load %arg6[%get3A_491] : memref<75xf32, #tpu.memory_space<smem>>
    %mul3A_493 = arith.mulf %get3A_1, %get3A_492 : f32
    %add3A_494 = arith.addf %get3A_489, %mul3A_493 : f32
    %get3A_495 = arith.constant 8 : i32
    %get3A_496 = arith.index_cast %get3A_495 : i32 to index
    %get3A_497 = memref.load %arg6[%get3A_496] : memref<75xf32, #tpu.memory_space<smem>>
    %mul3A_498 = arith.mulf %get3A_4, %get3A_497 : f32
    %add3A_499 = arith.addf %add3A_494, %mul3A_498 : f32
    %get3A_500 = arith.constant 13 : i32
    %get3A_501 = arith.index_cast %get3A_500 : i32 to index
    %get3A_502 = memref.load %arg6[%get3A_501] : memref<75xf32, #tpu.memory_space<smem>>
    %mul3A_503 = arith.mulf %get3A_7, %get3A_502 : f32
    %add3A_504 = arith.addf %add3A_499, %mul3A_503 : f32
    %get3A_505 = arith.constant 18 : i32
    %get3A_506 = arith.index_cast %get3A_505 : i32 to index
    %get3A_507 = memref.load %arg6[%get3A_506] : memref<75xf32, #tpu.memory_space<smem>>
    %mul3A_508 = arith.mulf %get3A_10, %get3A_507 : f32
    %add3A_509 = arith.addf %add3A_504, %mul3A_508 : f32
    %get3A_510 = arith.constant 23 : i32
    %get3A_511 = arith.index_cast %get3A_510 : i32 to index
    %get3A_512 = memref.load %arg6[%get3A_511] : memref<75xf32, #tpu.memory_space<smem>>
    %mul3A_513 = arith.mulf %get3A_13, %get3A_512 : f32
    %add3A_514 = arith.addf %add3A_509, %mul3A_513 : f32
    %ge3A_515 = arith.constant 0.000000e+00 : f32
    %ge3A_516 = arith.cmpf oge, %add3A_514, %ge3A_515 : f32
    %jit3A_517 = arith.constant 1.000000e+00 : f32
    %jit3A_518 = arith.constant -1.000000e+00 : f32
    %select_n3A_519 = arith.select %ge3A_516, %jit3A_517, %jit3A_518 : f32
    %mul3A_520 = arith.constant 2.000000e+00 : f32
    %mul3A_521 = arith.mulf %select_n3A_519, %mul3A_520 : f32
    %mul3A_522 = arith.mulf %add3A_514, %mul3A_521 : f32
    %gt3A_523 = arith.constant 1.700000e+01 : f32
    %gt3A_524 = arith.cmpf ogt, %mul3A_522, %gt3A_523 : f32
    %jit3A_525 = arith.constant 1.700000e+01 : f32
    %select_n3A_526 = arith.select %gt3A_524, %jit3A_525, %mul3A_522 : f32
    %mul3A_527 = arith.constant 1.44269502 : f32
    %mul3A_528 = arith.mulf %select_n3A_526, %mul3A_527 : f32
    %add3A_529 = arith.constant 5.000000e-01 : f32
    %add3A_530 = arith.addf %mul3A_528, %add3A_529 : f32
    %convert_element_type3A_531 = arith.fptosi %add3A_530 : f32 to i32
    %convert_element_type3A_532 = arith.sitofp %convert_element_type3A_531 : i32 to f32
    %sub3A_533 = arith.subf %mul3A_528, %convert_element_type3A_532 : f32
    %mul3A_534 = arith.constant 0.693147182 : f32
    %mul3A_535 = arith.mulf %sub3A_533, %mul3A_534 : f32
    %mul3A_536 = arith.constant 0.00833333377 : f32
    %mul3A_537 = arith.mulf %mul3A_535, %mul3A_536 : f32
    %add3A_538 = arith.constant 0.0416666679 : f32
    %add3A_539 = arith.addf %add3A_538, %mul3A_537 : f32
    %mul3A_540 = arith.mulf %mul3A_535, %add3A_539 : f32
    %add3A_541 = arith.constant 0.166666672 : f32
    %add3A_542 = arith.addf %add3A_541, %mul3A_540 : f32
    %mul3A_543 = arith.mulf %mul3A_535, %add3A_542 : f32
    %add3A_544 = arith.constant 5.000000e-01 : f32
    %add3A_545 = arith.addf %add3A_544, %mul3A_543 : f32
    %mul3A_546 = arith.mulf %mul3A_535, %add3A_545 : f32
    %add3A_547 = arith.constant 1.000000e+00 : f32
    %add3A_548 = arith.addf %add3A_547, %mul3A_546 : f32
    %mul3A_549 = arith.mulf %mul3A_535, %add3A_548 : f32
    %add3A_550 = arith.constant 1.000000e+00 : f32
    %add3A_551 = arith.addf %add3A_550, %mul3A_549 : f32
    %and3A_552 = arith.constant 1 : i32
    %and3A_553 = arith.andi %convert_element_type3A_531, %and3A_552 : i32
    %ne3A_554 = arith.constant 0 : i32
    %ne3A_555 = arith.cmpi ne, %and3A_553, %ne3A_554 : i32
    %jit3A_556 = arith.constant 2.000000e+00 : f32
    %jit3A_557 = arith.constant 1.000000e+00 : f32
    %select_n3A_558 = arith.select %ne3A_555, %jit3A_556, %jit3A_557 : f32
    %mul3A_559 = arith.constant 1.000000e+00 : f32
    %mul3A_560 = arith.mulf %mul3A_559, %select_n3A_558 : f32
    %jit3A_561 = arith.constant 5.000000e-01 : f32
    %jit3A_562 = arith.constant 1.000000e+00 : f32
    %select_n3A_563 = arith.select %ne3A_555, %jit3A_561, %jit3A_562 : f32
    %mul3A_564 = arith.constant 1.000000e+00 : f32
    %mul3A_565 = arith.mulf %mul3A_564, %select_n3A_563 : f32
    %and3A_566 = arith.constant 2 : i32
    %and3A_567 = arith.andi %convert_element_type3A_531, %and3A_566 : i32
    %ne3A_568 = arith.constant 0 : i32
    %ne3A_569 = arith.cmpi ne, %and3A_567, %ne3A_568 : i32
    %jit3A_570 = arith.constant 4.000000e+00 : f32
    %jit3A_571 = arith.constant 1.000000e+00 : f32
    %select_n3A_572 = arith.select %ne3A_569, %jit3A_570, %jit3A_571 : f32
    %mul3A_573 = arith.mulf %mul3A_560, %select_n3A_572 : f32
    %jit3A_574 = arith.constant 2.500000e-01 : f32
    %jit3A_575 = arith.constant 1.000000e+00 : f32
    %select_n3A_576 = arith.select %ne3A_569, %jit3A_574, %jit3A_575 : f32
    %mul3A_577 = arith.mulf %mul3A_565, %select_n3A_576 : f32
    %and3A_578 = arith.constant 4 : i32
    %and3A_579 = arith.andi %convert_element_type3A_531, %and3A_578 : i32
    %ne3A_580 = arith.constant 0 : i32
    %ne3A_581 = arith.cmpi ne, %and3A_579, %ne3A_580 : i32
    %jit3A_582 = arith.constant 1.600000e+01 : f32
    %jit3A_583 = arith.constant 1.000000e+00 : f32
    %select_n3A_584 = arith.select %ne3A_581, %jit3A_582, %jit3A_583 : f32
    %mul3A_585 = arith.mulf %mul3A_573, %select_n3A_584 : f32
    %jit3A_586 = arith.constant 6.250000e-02 : f32
    %jit3A_587 = arith.constant 1.000000e+00 : f32
    %select_n3A_588 = arith.select %ne3A_581, %jit3A_586, %jit3A_587 : f32
    %mul3A_589 = arith.mulf %mul3A_577, %select_n3A_588 : f32
    %and3A_590 = arith.constant 8 : i32
    %and3A_591 = arith.andi %convert_element_type3A_531, %and3A_590 : i32
    %ne3A_592 = arith.constant 0 : i32
    %ne3A_593 = arith.cmpi ne, %and3A_591, %ne3A_592 : i32
    %jit3A_594 = arith.constant 2.560000e+02 : f32
    %jit3A_595 = arith.constant 1.000000e+00 : f32
    %select_n3A_596 = arith.select %ne3A_593, %jit3A_594, %jit3A_595 : f32
    %mul3A_597 = arith.mulf %mul3A_585, %select_n3A_596 : f32
    %jit3A_598 = arith.constant 3.906250e-03 : f32
    %jit3A_599 = arith.constant 1.000000e+00 : f32
    %select_n3A_600 = arith.select %ne3A_593, %jit3A_598, %jit3A_599 : f32
    %mul3A_601 = arith.mulf %mul3A_589, %select_n3A_600 : f32
    %and3A_602 = arith.constant 16 : i32
    %and3A_603 = arith.andi %convert_element_type3A_531, %and3A_602 : i32
    %ne3A_604 = arith.constant 0 : i32
    %ne3A_605 = arith.cmpi ne, %and3A_603, %ne3A_604 : i32
    %jit3A_606 = arith.constant 6.553600e+04 : f32
    %jit3A_607 = arith.constant 1.000000e+00 : f32
    %select_n3A_608 = arith.select %ne3A_605, %jit3A_606, %jit3A_607 : f32
    %mul3A_609 = arith.mulf %mul3A_597, %select_n3A_608 : f32
    %jit3A_610 = arith.constant 1.52587891E-5 : f32
    %jit3A_611 = arith.constant 1.000000e+00 : f32
    %select_n3A_612 = arith.select %ne3A_605, %jit3A_610, %jit3A_611 : f32
    %mul3A_613 = arith.mulf %mul3A_601, %select_n3A_612 : f32
    %mul3A_614 = arith.mulf %add3A_551, %mul3A_609 : f32
    %add3A_615 = arith.constant 1.000000e+00 : f32
    %add3A_616 = arith.addf %mul3A_614, %add3A_615 : f32
    %mul3A_617 = arith.constant 5.000000e-01 : f32
    %mul3A_618 = arith.mulf %mul3A_617, %mul3A_613 : f32
    %mul3A_619 = arith.mulf %add3A_616, %mul3A_618 : f32
    %sub3A_620 = arith.constant 2.000000e+00 : f32
    %sub3A_621 = arith.subf %sub3A_620, %mul3A_619 : f32
    %mul3A_622 = arith.mulf %mul3A_618, %sub3A_621 : f32
    %mul3A_623 = arith.mulf %add3A_616, %mul3A_622 : f32
    %sub3A_624 = arith.constant 2.000000e+00 : f32
    %sub3A_625 = arith.subf %sub3A_624, %mul3A_623 : f32
    %mul3A_626 = arith.mulf %mul3A_622, %sub3A_625 : f32
    %mul3A_627 = arith.mulf %add3A_616, %mul3A_626 : f32
    %sub3A_628 = arith.constant 2.000000e+00 : f32
    %sub3A_629 = arith.subf %sub3A_628, %mul3A_627 : f32
    %mul3A_630 = arith.mulf %mul3A_626, %sub3A_629 : f32
    %mul3A_631 = arith.mulf %add3A_616, %mul3A_630 : f32
    %sub3A_632 = arith.constant 2.000000e+00 : f32
    %sub3A_633 = arith.subf %sub3A_632, %mul3A_631 : f32
    %mul3A_634 = arith.mulf %mul3A_630, %sub3A_633 : f32
    %mul3A_635 = arith.mulf %add3A_616, %mul3A_634 : f32
    %sub3A_636 = arith.constant 2.000000e+00 : f32
    %sub3A_637 = arith.subf %sub3A_636, %mul3A_635 : f32
    %mul3A_638 = arith.mulf %mul3A_634, %sub3A_637 : f32
    %mul3A_639 = arith.mulf %add3A_616, %mul3A_638 : f32
    %sub3A_640 = arith.constant 2.000000e+00 : f32
    %sub3A_641 = arith.subf %sub3A_640, %mul3A_639 : f32
    %mul3A_642 = arith.mulf %mul3A_638, %sub3A_641 : f32
    %mul3A_643 = arith.constant 2.000000e+00 : f32
    %mul3A_644 = arith.mulf %mul3A_643, %mul3A_642 : f32
    %sub3A_645 = arith.constant 1.000000e+00 : f32
    %sub3A_646 = arith.subf %sub3A_645, %mul3A_644 : f32
    %mul3A_647 = arith.mulf %select_n3A_519, %sub3A_646 : f32
    %get3A_648 = arith.constant 4 : i32
    %get3A_649 = arith.index_cast %get3A_648 : i32 to index
    %get3A_650 = memref.load %arg7[%get3A_649] : memref<15xf32, #tpu.memory_space<smem>>
    %get3A_651 = arith.constant 4 : i32
    %get3A_652 = arith.index_cast %get3A_651 : i32 to index
    %get3A_653 = memref.load %arg6[%get3A_652] : memref<75xf32, #tpu.memory_space<smem>>
    %mul3A_654 = arith.mulf %get3A_1, %get3A_653 : f32
    %add3A_655 = arith.addf %get3A_650, %mul3A_654 : f32
    %get3A_656 = arith.constant 9 : i32
    %get3A_657 = arith.index_cast %get3A_656 : i32 to index
    %get3A_658 = memref.load %arg6[%get3A_657] : memref<75xf32, #tpu.memory_space<smem>>
    %mul3A_659 = arith.mulf %get3A_4, %get3A_658 : f32
    %add3A_660 = arith.addf %add3A_655, %mul3A_659 : f32
    %get3A_661 = arith.constant 14 : i32
    %get3A_662 = arith.index_cast %get3A_661 : i32 to index
    %get3A_663 = memref.load %arg6[%get3A_662] : memref<75xf32, #tpu.memory_space<smem>>
    %mul3A_664 = arith.mulf %get3A_7, %get3A_663 : f32
    %add3A_665 = arith.addf %add3A_660, %mul3A_664 : f32
    %get3A_666 = arith.constant 19 : i32
    %get3A_667 = arith.index_cast %get3A_666 : i32 to index
    %get3A_668 = memref.load %arg6[%get3A_667] : memref<75xf32, #tpu.memory_space<smem>>
    %mul3A_669 = arith.mulf %get3A_10, %get3A_668 : f32
    %add3A_670 = arith.addf %add3A_665, %mul3A_669 : f32
    %get3A_671 = arith.constant 24 : i32
    %get3A_672 = arith.index_cast %get3A_671 : i32 to index
    %get3A_673 = memref.load %arg6[%get3A_672] : memref<75xf32, #tpu.memory_space<smem>>
    %mul3A_674 = arith.mulf %get3A_13, %get3A_673 : f32
    %add3A_675 = arith.addf %add3A_670, %mul3A_674 : f32
    %ge3A_676 = arith.constant 0.000000e+00 : f32
    %ge3A_677 = arith.cmpf oge, %add3A_675, %ge3A_676 : f32
    %jit3A_678 = arith.constant 1.000000e+00 : f32
    %jit3A_679 = arith.constant -1.000000e+00 : f32
    %select_n3A_680 = arith.select %ge3A_677, %jit3A_678, %jit3A_679 : f32
    %mul3A_681 = arith.constant 2.000000e+00 : f32
    %mul3A_682 = arith.mulf %select_n3A_680, %mul3A_681 : f32
    %mul3A_683 = arith.mulf %add3A_675, %mul3A_682 : f32
    %gt3A_684 = arith.constant 1.700000e+01 : f32
    %gt3A_685 = arith.cmpf ogt, %mul3A_683, %gt3A_684 : f32
    %jit3A_686 = arith.constant 1.700000e+01 : f32
    %select_n3A_687 = arith.select %gt3A_685, %jit3A_686, %mul3A_683 : f32
    %mul3A_688 = arith.constant 1.44269502 : f32
    %mul3A_689 = arith.mulf %select_n3A_687, %mul3A_688 : f32
    %add3A_690 = arith.constant 5.000000e-01 : f32
    %add3A_691 = arith.addf %mul3A_689, %add3A_690 : f32
    %convert_element_type3A_692 = arith.fptosi %add3A_691 : f32 to i32
    %convert_element_type3A_693 = arith.sitofp %convert_element_type3A_692 : i32 to f32
    %sub3A_694 = arith.subf %mul3A_689, %convert_element_type3A_693 : f32
    %mul3A_695 = arith.constant 0.693147182 : f32
    %mul3A_696 = arith.mulf %sub3A_694, %mul3A_695 : f32
    %mul3A_697 = arith.constant 0.00833333377 : f32
    %mul3A_698 = arith.mulf %mul3A_696, %mul3A_697 : f32
    %add3A_699 = arith.constant 0.0416666679 : f32
    %add3A_700 = arith.addf %add3A_699, %mul3A_698 : f32
    %mul3A_701 = arith.mulf %mul3A_696, %add3A_700 : f32
    %add3A_702 = arith.constant 0.166666672 : f32
    %add3A_703 = arith.addf %add3A_702, %mul3A_701 : f32
    %mul3A_704 = arith.mulf %mul3A_696, %add3A_703 : f32
    %add3A_705 = arith.constant 5.000000e-01 : f32
    %add3A_706 = arith.addf %add3A_705, %mul3A_704 : f32
    %mul3A_707 = arith.mulf %mul3A_696, %add3A_706 : f32
    %add3A_708 = arith.constant 1.000000e+00 : f32
    %add3A_709 = arith.addf %add3A_708, %mul3A_707 : f32
    %mul3A_710 = arith.mulf %mul3A_696, %add3A_709 : f32
    %add3A_711 = arith.constant 1.000000e+00 : f32
    %add3A_712 = arith.addf %add3A_711, %mul3A_710 : f32
    %and3A_713 = arith.constant 1 : i32
    %and3A_714 = arith.andi %convert_element_type3A_692, %and3A_713 : i32
    %ne3A_715 = arith.constant 0 : i32
    %ne3A_716 = arith.cmpi ne, %and3A_714, %ne3A_715 : i32
    %jit3A_717 = arith.constant 2.000000e+00 : f32
    %jit3A_718 = arith.constant 1.000000e+00 : f32
    %select_n3A_719 = arith.select %ne3A_716, %jit3A_717, %jit3A_718 : f32
    %mul3A_720 = arith.constant 1.000000e+00 : f32
    %mul3A_721 = arith.mulf %mul3A_720, %select_n3A_719 : f32
    %jit3A_722 = arith.constant 5.000000e-01 : f32
    %jit3A_723 = arith.constant 1.000000e+00 : f32
    %select_n3A_724 = arith.select %ne3A_716, %jit3A_722, %jit3A_723 : f32
    %mul3A_725 = arith.constant 1.000000e+00 : f32
    %mul3A_726 = arith.mulf %mul3A_725, %select_n3A_724 : f32
    %and3A_727 = arith.constant 2 : i32
    %and3A_728 = arith.andi %convert_element_type3A_692, %and3A_727 : i32
    %ne3A_729 = arith.constant 0 : i32
    %ne3A_730 = arith.cmpi ne, %and3A_728, %ne3A_729 : i32
    %jit3A_731 = arith.constant 4.000000e+00 : f32
    %jit3A_732 = arith.constant 1.000000e+00 : f32
    %select_n3A_733 = arith.select %ne3A_730, %jit3A_731, %jit3A_732 : f32
    %mul3A_734 = arith.mulf %mul3A_721, %select_n3A_733 : f32
    %jit3A_735 = arith.constant 2.500000e-01 : f32
    %jit3A_736 = arith.constant 1.000000e+00 : f32
    %select_n3A_737 = arith.select %ne3A_730, %jit3A_735, %jit3A_736 : f32
    %mul3A_738 = arith.mulf %mul3A_726, %select_n3A_737 : f32
    %and3A_739 = arith.constant 4 : i32
    %and3A_740 = arith.andi %convert_element_type3A_692, %and3A_739 : i32
    %ne3A_741 = arith.constant 0 : i32
    %ne3A_742 = arith.cmpi ne, %and3A_740, %ne3A_741 : i32
    %jit3A_743 = arith.constant 1.600000e+01 : f32
    %jit3A_744 = arith.constant 1.000000e+00 : f32
    %select_n3A_745 = arith.select %ne3A_742, %jit3A_743, %jit3A_744 : f32
    %mul3A_746 = arith.mulf %mul3A_734, %select_n3A_745 : f32
    %jit3A_747 = arith.constant 6.250000e-02 : f32
    %jit3A_748 = arith.constant 1.000000e+00 : f32
    %select_n3A_749 = arith.select %ne3A_742, %jit3A_747, %jit3A_748 : f32
    %mul3A_750 = arith.mulf %mul3A_738, %select_n3A_749 : f32
    %and3A_751 = arith.constant 8 : i32
    %and3A_752 = arith.andi %convert_element_type3A_692, %and3A_751 : i32
    %ne3A_753 = arith.constant 0 : i32
    %ne3A_754 = arith.cmpi ne, %and3A_752, %ne3A_753 : i32
    %jit3A_755 = arith.constant 2.560000e+02 : f32
    %jit3A_756 = arith.constant 1.000000e+00 : f32
    %select_n3A_757 = arith.select %ne3A_754, %jit3A_755, %jit3A_756 : f32
    %mul3A_758 = arith.mulf %mul3A_746, %select_n3A_757 : f32
    %jit3A_759 = arith.constant 3.906250e-03 : f32
    %jit3A_760 = arith.constant 1.000000e+00 : f32
    %select_n3A_761 = arith.select %ne3A_754, %jit3A_759, %jit3A_760 : f32
    %mul3A_762 = arith.mulf %mul3A_750, %select_n3A_761 : f32
    %and3A_763 = arith.constant 16 : i32
    %and3A_764 = arith.andi %convert_element_type3A_692, %and3A_763 : i32
    %ne3A_765 = arith.constant 0 : i32
    %ne3A_766 = arith.cmpi ne, %and3A_764, %ne3A_765 : i32
    %jit3A_767 = arith.constant 6.553600e+04 : f32
    %jit3A_768 = arith.constant 1.000000e+00 : f32
    %select_n3A_769 = arith.select %ne3A_766, %jit3A_767, %jit3A_768 : f32
    %mul3A_770 = arith.mulf %mul3A_758, %select_n3A_769 : f32
    %jit3A_771 = arith.constant 1.52587891E-5 : f32
    %jit3A_772 = arith.constant 1.000000e+00 : f32
    %select_n3A_773 = arith.select %ne3A_766, %jit3A_771, %jit3A_772 : f32
    %mul3A_774 = arith.mulf %mul3A_762, %select_n3A_773 : f32
    %mul3A_775 = arith.mulf %add3A_712, %mul3A_770 : f32
    %add3A_776 = arith.constant 1.000000e+00 : f32
    %add3A_777 = arith.addf %mul3A_775, %add3A_776 : f32
    %mul3A_778 = arith.constant 5.000000e-01 : f32
    %mul3A_779 = arith.mulf %mul3A_778, %mul3A_774 : f32
    %mul3A_780 = arith.mulf %add3A_777, %mul3A_779 : f32
    %sub3A_781 = arith.constant 2.000000e+00 : f32
    %sub3A_782 = arith.subf %sub3A_781, %mul3A_780 : f32
    %mul3A_783 = arith.mulf %mul3A_779, %sub3A_782 : f32
    %mul3A_784 = arith.mulf %add3A_777, %mul3A_783 : f32
    %sub3A_785 = arith.constant 2.000000e+00 : f32
    %sub3A_786 = arith.subf %sub3A_785, %mul3A_784 : f32
    %mul3A_787 = arith.mulf %mul3A_783, %sub3A_786 : f32
    %mul3A_788 = arith.mulf %add3A_777, %mul3A_787 : f32
    %sub3A_789 = arith.constant 2.000000e+00 : f32
    %sub3A_790 = arith.subf %sub3A_789, %mul3A_788 : f32
    %mul3A_791 = arith.mulf %mul3A_787, %sub3A_790 : f32
    %mul3A_792 = arith.mulf %add3A_777, %mul3A_791 : f32
    %sub3A_793 = arith.constant 2.000000e+00 : f32
    %sub3A_794 = arith.subf %sub3A_793, %mul3A_792 : f32
    %mul3A_795 = arith.mulf %mul3A_791, %sub3A_794 : f32
    %mul3A_796 = arith.mulf %add3A_777, %mul3A_795 : f32
    %sub3A_797 = arith.constant 2.000000e+00 : f32
    %sub3A_798 = arith.subf %sub3A_797, %mul3A_796 : f32
    %mul3A_799 = arith.mulf %mul3A_795, %sub3A_798 : f32
    %mul3A_800 = arith.mulf %add3A_777, %mul3A_799 : f32
    %sub3A_801 = arith.constant 2.000000e+00 : f32
    %sub3A_802 = arith.subf %sub3A_801, %mul3A_800 : f32
    %mul3A_803 = arith.mulf %mul3A_799, %sub3A_802 : f32
    %mul3A_804 = arith.constant 2.000000e+00 : f32
    %mul3A_805 = arith.mulf %mul3A_804, %mul3A_803 : f32
    %sub3A_806 = arith.constant 1.000000e+00 : f32
    %sub3A_807 = arith.subf %sub3A_806, %mul3A_805 : f32
    %mul3A_808 = arith.mulf %select_n3A_680, %sub3A_807 : f32
    %get3A_809 = arith.constant 5 : i32
    %get3A_810 = arith.index_cast %get3A_809 : i32 to index
    %get3A_811 = memref.load %arg7[%get3A_810] : memref<15xf32, #tpu.memory_space<smem>>
    %get3A_812 = arith.constant 25 : i32
    %get3A_813 = arith.index_cast %get3A_812 : i32 to index
    %get3A_814 = memref.load %arg6[%get3A_813] : memref<75xf32, #tpu.memory_space<smem>>
    %mul3A_815 = arith.mulf %mul3A_164, %get3A_814 : f32
    %add3A_816 = arith.addf %get3A_811, %mul3A_815 : f32
    %get3A_817 = arith.constant 30 : i32
    %get3A_818 = arith.index_cast %get3A_817 : i32 to index
    %get3A_819 = memref.load %arg6[%get3A_818] : memref<75xf32, #tpu.memory_space<smem>>
    %mul3A_820 = arith.mulf %mul3A_325, %get3A_819 : f32
    %add3A_821 = arith.addf %add3A_816, %mul3A_820 : f32
    %get3A_822 = arith.constant 35 : i32
    %get3A_823 = arith.index_cast %get3A_822 : i32 to index
    %get3A_824 = memref.load %arg6[%get3A_823] : memref<75xf32, #tpu.memory_space<smem>>
    %mul3A_825 = arith.mulf %mul3A_486, %get3A_824 : f32
    %add3A_826 = arith.addf %add3A_821, %mul3A_825 : f32
    %get3A_827 = arith.constant 40 : i32
    %get3A_828 = arith.index_cast %get3A_827 : i32 to index
    %get3A_829 = memref.load %arg6[%get3A_828] : memref<75xf32, #tpu.memory_space<smem>>
    %mul3A_830 = arith.mulf %mul3A_647, %get3A_829 : f32
    %add3A_831 = arith.addf %add3A_826, %mul3A_830 : f32
    %get3A_832 = arith.constant 45 : i32
    %get3A_833 = arith.index_cast %get3A_832 : i32 to index
    %get3A_834 = memref.load %arg6[%get3A_833] : memref<75xf32, #tpu.memory_space<smem>>
    %mul3A_835 = arith.mulf %mul3A_808, %get3A_834 : f32
    %add3A_836 = arith.addf %add3A_831, %mul3A_835 : f32
    %ge3A_837 = arith.constant 0.000000e+00 : f32
    %ge3A_838 = arith.cmpf oge, %add3A_836, %ge3A_837 : f32
    %jit3A_839 = arith.constant 1.000000e+00 : f32
    %jit3A_840 = arith.constant -1.000000e+00 : f32
    %select_n3A_841 = arith.select %ge3A_838, %jit3A_839, %jit3A_840 : f32
    %mul3A_842 = arith.constant 2.000000e+00 : f32
    %mul3A_843 = arith.mulf %select_n3A_841, %mul3A_842 : f32
    %mul3A_844 = arith.mulf %add3A_836, %mul3A_843 : f32
    %gt3A_845 = arith.constant 1.700000e+01 : f32
    %gt3A_846 = arith.cmpf ogt, %mul3A_844, %gt3A_845 : f32
    %jit3A_847 = arith.constant 1.700000e+01 : f32
    %select_n3A_848 = arith.select %gt3A_846, %jit3A_847, %mul3A_844 : f32
    %mul3A_849 = arith.constant 1.44269502 : f32
    %mul3A_850 = arith.mulf %select_n3A_848, %mul3A_849 : f32
    %add3A_851 = arith.constant 5.000000e-01 : f32
    %add3A_852 = arith.addf %mul3A_850, %add3A_851 : f32
    %convert_element_type3A_853 = arith.fptosi %add3A_852 : f32 to i32
    %convert_element_type3A_854 = arith.sitofp %convert_element_type3A_853 : i32 to f32
    %sub3A_855 = arith.subf %mul3A_850, %convert_element_type3A_854 : f32
    %mul3A_856 = arith.constant 0.693147182 : f32
    %mul3A_857 = arith.mulf %sub3A_855, %mul3A_856 : f32
    %mul3A_858 = arith.constant 0.00833333377 : f32
    %mul3A_859 = arith.mulf %mul3A_857, %mul3A_858 : f32
    %add3A_860 = arith.constant 0.0416666679 : f32
    %add3A_861 = arith.addf %add3A_860, %mul3A_859 : f32
    %mul3A_862 = arith.mulf %mul3A_857, %add3A_861 : f32
    %add3A_863 = arith.constant 0.166666672 : f32
    %add3A_864 = arith.addf %add3A_863, %mul3A_862 : f32
    %mul3A_865 = arith.mulf %mul3A_857, %add3A_864 : f32
    %add3A_866 = arith.constant 5.000000e-01 : f32
    %add3A_867 = arith.addf %add3A_866, %mul3A_865 : f32
    %mul3A_868 = arith.mulf %mul3A_857, %add3A_867 : f32
    %add3A_869 = arith.constant 1.000000e+00 : f32
    %add3A_870 = arith.addf %add3A_869, %mul3A_868 : f32
    %mul3A_871 = arith.mulf %mul3A_857, %add3A_870 : f32
    %add3A_872 = arith.constant 1.000000e+00 : f32
    %add3A_873 = arith.addf %add3A_872, %mul3A_871 : f32
    %and3A_874 = arith.constant 1 : i32
    %and3A_875 = arith.andi %convert_element_type3A_853, %and3A_874 : i32
    %ne3A_876 = arith.constant 0 : i32
    %ne3A_877 = arith.cmpi ne, %and3A_875, %ne3A_876 : i32
    %jit3A_878 = arith.constant 2.000000e+00 : f32
    %jit3A_879 = arith.constant 1.000000e+00 : f32
    %select_n3A_880 = arith.select %ne3A_877, %jit3A_878, %jit3A_879 : f32
    %mul3A_881 = arith.constant 1.000000e+00 : f32
    %mul3A_882 = arith.mulf %mul3A_881, %select_n3A_880 : f32
    %jit3A_883 = arith.constant 5.000000e-01 : f32
    %jit3A_884 = arith.constant 1.000000e+00 : f32
    %select_n3A_885 = arith.select %ne3A_877, %jit3A_883, %jit3A_884 : f32
    %mul3A_886 = arith.constant 1.000000e+00 : f32
    %mul3A_887 = arith.mulf %mul3A_886, %select_n3A_885 : f32
    %and3A_888 = arith.constant 2 : i32
    %and3A_889 = arith.andi %convert_element_type3A_853, %and3A_888 : i32
    %ne3A_890 = arith.constant 0 : i32
    %ne3A_891 = arith.cmpi ne, %and3A_889, %ne3A_890 : i32
    %jit3A_892 = arith.constant 4.000000e+00 : f32
    %jit3A_893 = arith.constant 1.000000e+00 : f32
    %select_n3A_894 = arith.select %ne3A_891, %jit3A_892, %jit3A_893 : f32
    %mul3A_895 = arith.mulf %mul3A_882, %select_n3A_894 : f32
    %jit3A_896 = arith.constant 2.500000e-01 : f32
    %jit3A_897 = arith.constant 1.000000e+00 : f32
    %select_n3A_898 = arith.select %ne3A_891, %jit3A_896, %jit3A_897 : f32
    %mul3A_899 = arith.mulf %mul3A_887, %select_n3A_898 : f32
    %and3A_900 = arith.constant 4 : i32
    %and3A_901 = arith.andi %convert_element_type3A_853, %and3A_900 : i32
    %ne3A_902 = arith.constant 0 : i32
    %ne3A_903 = arith.cmpi ne, %and3A_901, %ne3A_902 : i32
    %jit3A_904 = arith.constant 1.600000e+01 : f32
    %jit3A_905 = arith.constant 1.000000e+00 : f32
    %select_n3A_906 = arith.select %ne3A_903, %jit3A_904, %jit3A_905 : f32
    %mul3A_907 = arith.mulf %mul3A_895, %select_n3A_906 : f32
    %jit3A_908 = arith.constant 6.250000e-02 : f32
    %jit3A_909 = arith.constant 1.000000e+00 : f32
    %select_n3A_910 = arith.select %ne3A_903, %jit3A_908, %jit3A_909 : f32
    %mul3A_911 = arith.mulf %mul3A_899, %select_n3A_910 : f32
    %and3A_912 = arith.constant 8 : i32
    %and3A_913 = arith.andi %convert_element_type3A_853, %and3A_912 : i32
    %ne3A_914 = arith.constant 0 : i32
    %ne3A_915 = arith.cmpi ne, %and3A_913, %ne3A_914 : i32
    %jit3A_916 = arith.constant 2.560000e+02 : f32
    %jit3A_917 = arith.constant 1.000000e+00 : f32
    %select_n3A_918 = arith.select %ne3A_915, %jit3A_916, %jit3A_917 : f32
    %mul3A_919 = arith.mulf %mul3A_907, %select_n3A_918 : f32
    %jit3A_920 = arith.constant 3.906250e-03 : f32
    %jit3A_921 = arith.constant 1.000000e+00 : f32
    %select_n3A_922 = arith.select %ne3A_915, %jit3A_920, %jit3A_921 : f32
    %mul3A_923 = arith.mulf %mul3A_911, %select_n3A_922 : f32
    %and3A_924 = arith.constant 16 : i32
    %and3A_925 = arith.andi %convert_element_type3A_853, %and3A_924 : i32
    %ne3A_926 = arith.constant 0 : i32
    %ne3A_927 = arith.cmpi ne, %and3A_925, %ne3A_926 : i32
    %jit3A_928 = arith.constant 6.553600e+04 : f32
    %jit3A_929 = arith.constant 1.000000e+00 : f32
    %select_n3A_930 = arith.select %ne3A_927, %jit3A_928, %jit3A_929 : f32
    %mul3A_931 = arith.mulf %mul3A_919, %select_n3A_930 : f32
    %jit3A_932 = arith.constant 1.52587891E-5 : f32
    %jit3A_933 = arith.constant 1.000000e+00 : f32
    %select_n3A_934 = arith.select %ne3A_927, %jit3A_932, %jit3A_933 : f32
    %mul3A_935 = arith.mulf %mul3A_923, %select_n3A_934 : f32
    %mul3A_936 = arith.mulf %add3A_873, %mul3A_931 : f32
    %add3A_937 = arith.constant 1.000000e+00 : f32
    %add3A_938 = arith.addf %mul3A_936, %add3A_937 : f32
    %mul3A_939 = arith.constant 5.000000e-01 : f32
    %mul3A_940 = arith.mulf %mul3A_939, %mul3A_935 : f32
    %mul3A_941 = arith.mulf %add3A_938, %mul3A_940 : f32
    %sub3A_942 = arith.constant 2.000000e+00 : f32
    %sub3A_943 = arith.subf %sub3A_942, %mul3A_941 : f32
    %mul3A_944 = arith.mulf %mul3A_940, %sub3A_943 : f32
    %mul3A_945 = arith.mulf %add3A_938, %mul3A_944 : f32
    %sub3A_946 = arith.constant 2.000000e+00 : f32
    %sub3A_947 = arith.subf %sub3A_946, %mul3A_945 : f32
    %mul3A_948 = arith.mulf %mul3A_944, %sub3A_947 : f32
    %mul3A_949 = arith.mulf %add3A_938, %mul3A_948 : f32
    %sub3A_950 = arith.constant 2.000000e+00 : f32
    %sub3A_951 = arith.subf %sub3A_950, %mul3A_949 : f32
    %mul3A_952 = arith.mulf %mul3A_948, %sub3A_951 : f32
    %mul3A_953 = arith.mulf %add3A_938, %mul3A_952 : f32
    %sub3A_954 = arith.constant 2.000000e+00 : f32
    %sub3A_955 = arith.subf %sub3A_954, %mul3A_953 : f32
    %mul3A_956 = arith.mulf %mul3A_952, %sub3A_955 : f32
    %mul3A_957 = arith.mulf %add3A_938, %mul3A_956 : f32
    %sub3A_958 = arith.constant 2.000000e+00 : f32
    %sub3A_959 = arith.subf %sub3A_958, %mul3A_957 : f32
    %mul3A_960 = arith.mulf %mul3A_956, %sub3A_959 : f32
    %mul3A_961 = arith.mulf %add3A_938, %mul3A_960 : f32
    %sub3A_962 = arith.constant 2.000000e+00 : f32
    %sub3A_963 = arith.subf %sub3A_962, %mul3A_961 : f32
    %mul3A_964 = arith.mulf %mul3A_960, %sub3A_963 : f32
    %mul3A_965 = arith.constant 2.000000e+00 : f32
    %mul3A_966 = arith.mulf %mul3A_965, %mul3A_964 : f32
    %sub3A_967 = arith.constant 1.000000e+00 : f32
    %sub3A_968 = arith.subf %sub3A_967, %mul3A_966 : f32
    %mul3A_969 = arith.mulf %select_n3A_841, %sub3A_968 : f32
    %get3A_970 = arith.constant 6 : i32
    %get3A_971 = arith.index_cast %get3A_970 : i32 to index
    %get3A_972 = memref.load %arg7[%get3A_971] : memref<15xf32, #tpu.memory_space<smem>>
    %get3A_973 = arith.constant 26 : i32
    %get3A_974 = arith.index_cast %get3A_973 : i32 to index
    %get3A_975 = memref.load %arg6[%get3A_974] : memref<75xf32, #tpu.memory_space<smem>>
    %mul3A_976 = arith.mulf %mul3A_164, %get3A_975 : f32
    %add3A_977 = arith.addf %get3A_972, %mul3A_976 : f32
    %get3A_978 = arith.constant 31 : i32
    %get3A_979 = arith.index_cast %get3A_978 : i32 to index
    %get3A_980 = memref.load %arg6[%get3A_979] : memref<75xf32, #tpu.memory_space<smem>>
    %mul3A_981 = arith.mulf %mul3A_325, %get3A_980 : f32
    %add3A_982 = arith.addf %add3A_977, %mul3A_981 : f32
    %get3A_983 = arith.constant 36 : i32
    %get3A_984 = arith.index_cast %get3A_983 : i32 to index
    %get3A_985 = memref.load %arg6[%get3A_984] : memref<75xf32, #tpu.memory_space<smem>>
    %mul3A_986 = arith.mulf %mul3A_486, %get3A_985 : f32
    %add3A_987 = arith.addf %add3A_982, %mul3A_986 : f32
    %get3A_988 = arith.constant 41 : i32
    %get3A_989 = arith.index_cast %get3A_988 : i32 to index
    %get3A_990 = memref.load %arg6[%get3A_989] : memref<75xf32, #tpu.memory_space<smem>>
    %mul3A_991 = arith.mulf %mul3A_647, %get3A_990 : f32
    %add3A_992 = arith.addf %add3A_987, %mul3A_991 : f32
    %get3A_993 = arith.constant 46 : i32
    %get3A_994 = arith.index_cast %get3A_993 : i32 to index
    %get3A_995 = memref.load %arg6[%get3A_994] : memref<75xf32, #tpu.memory_space<smem>>
    %mul3A_996 = arith.mulf %mul3A_808, %get3A_995 : f32
    %add3A_997 = arith.addf %add3A_992, %mul3A_996 : f32
    %ge3A_998 = arith.constant 0.000000e+00 : f32
    %ge3A_999 = arith.cmpf oge, %add3A_997, %ge3A_998 : f32
    %jit3A_1000 = arith.constant 1.000000e+00 : f32
    %jit3A_1001 = arith.constant -1.000000e+00 : f32
    %select_n3A_1002 = arith.select %ge3A_999, %jit3A_1000, %jit3A_1001 : f32
    %mul3A_1003 = arith.constant 2.000000e+00 : f32
    %mul3A_1004 = arith.mulf %select_n3A_1002, %mul3A_1003 : f32
    %mul3A_1005 = arith.mulf %add3A_997, %mul3A_1004 : f32
    %gt3A_1006 = arith.constant 1.700000e+01 : f32
    %gt3A_1007 = arith.cmpf ogt, %mul3A_1005, %gt3A_1006 : f32
    %jit3A_1008 = arith.constant 1.700000e+01 : f32
    %select_n3A_1009 = arith.select %gt3A_1007, %jit3A_1008, %mul3A_1005 : f32
    %mul3A_1010 = arith.constant 1.44269502 : f32
    %mul3A_1011 = arith.mulf %select_n3A_1009, %mul3A_1010 : f32
    %add3A_1012 = arith.constant 5.000000e-01 : f32
    %add3A_1013 = arith.addf %mul3A_1011, %add3A_1012 : f32
    %convert_element_type3A_1014 = arith.fptosi %add3A_1013 : f32 to i32
    %convert_element_type3A_1015 = arith.sitofp %convert_element_type3A_1014 : i32 to f32
    %sub3A_1016 = arith.subf %mul3A_1011, %convert_element_type3A_1015 : f32
    %mul3A_1017 = arith.constant 0.693147182 : f32
    %mul3A_1018 = arith.mulf %sub3A_1016, %mul3A_1017 : f32
    %mul3A_1019 = arith.constant 0.00833333377 : f32
    %mul3A_1020 = arith.mulf %mul3A_1018, %mul3A_1019 : f32
    %add3A_1021 = arith.constant 0.0416666679 : f32
    %add3A_1022 = arith.addf %add3A_1021, %mul3A_1020 : f32
    %mul3A_1023 = arith.mulf %mul3A_1018, %add3A_1022 : f32
    %add3A_1024 = arith.constant 0.166666672 : f32
    %add3A_1025 = arith.addf %add3A_1024, %mul3A_1023 : f32
    %mul3A_1026 = arith.mulf %mul3A_1018, %add3A_1025 : f32
    %add3A_1027 = arith.constant 5.000000e-01 : f32
    %add3A_1028 = arith.addf %add3A_1027, %mul3A_1026 : f32
    %mul3A_1029 = arith.mulf %mul3A_1018, %add3A_1028 : f32
    %add3A_1030 = arith.constant 1.000000e+00 : f32
    %add3A_1031 = arith.addf %add3A_1030, %mul3A_1029 : f32
    %mul3A_1032 = arith.mulf %mul3A_1018, %add3A_1031 : f32
    %add3A_1033 = arith.constant 1.000000e+00 : f32
    %add3A_1034 = arith.addf %add3A_1033, %mul3A_1032 : f32
    %and3A_1035 = arith.constant 1 : i32
    %and3A_1036 = arith.andi %convert_element_type3A_1014, %and3A_1035 : i32
    %ne3A_1037 = arith.constant 0 : i32
    %ne3A_1038 = arith.cmpi ne, %and3A_1036, %ne3A_1037 : i32
    %jit3A_1039 = arith.constant 2.000000e+00 : f32
    %jit3A_1040 = arith.constant 1.000000e+00 : f32
    %select_n3A_1041 = arith.select %ne3A_1038, %jit3A_1039, %jit3A_1040 : f32
    %mul3A_1042 = arith.constant 1.000000e+00 : f32
    %mul3A_1043 = arith.mulf %mul3A_1042, %select_n3A_1041 : f32
    %jit3A_1044 = arith.constant 5.000000e-01 : f32
    %jit3A_1045 = arith.constant 1.000000e+00 : f32
    %select_n3A_1046 = arith.select %ne3A_1038, %jit3A_1044, %jit3A_1045 : f32
    %mul3A_1047 = arith.constant 1.000000e+00 : f32
    %mul3A_1048 = arith.mulf %mul3A_1047, %select_n3A_1046 : f32
    %and3A_1049 = arith.constant 2 : i32
    %and3A_1050 = arith.andi %convert_element_type3A_1014, %and3A_1049 : i32
    %ne3A_1051 = arith.constant 0 : i32
    %ne3A_1052 = arith.cmpi ne, %and3A_1050, %ne3A_1051 : i32
    %jit3A_1053 = arith.constant 4.000000e+00 : f32
    %jit3A_1054 = arith.constant 1.000000e+00 : f32
    %select_n3A_1055 = arith.select %ne3A_1052, %jit3A_1053, %jit3A_1054 : f32
    %mul3A_1056 = arith.mulf %mul3A_1043, %select_n3A_1055 : f32
    %jit3A_1057 = arith.constant 2.500000e-01 : f32
    %jit3A_1058 = arith.constant 1.000000e+00 : f32
    %select_n3A_1059 = arith.select %ne3A_1052, %jit3A_1057, %jit3A_1058 : f32
    %mul3A_1060 = arith.mulf %mul3A_1048, %select_n3A_1059 : f32
    %and3A_1061 = arith.constant 4 : i32
    %and3A_1062 = arith.andi %convert_element_type3A_1014, %and3A_1061 : i32
    %ne3A_1063 = arith.constant 0 : i32
    %ne3A_1064 = arith.cmpi ne, %and3A_1062, %ne3A_1063 : i32
    %jit3A_1065 = arith.constant 1.600000e+01 : f32
    %jit3A_1066 = arith.constant 1.000000e+00 : f32
    %select_n3A_1067 = arith.select %ne3A_1064, %jit3A_1065, %jit3A_1066 : f32
    %mul3A_1068 = arith.mulf %mul3A_1056, %select_n3A_1067 : f32
    %jit3A_1069 = arith.constant 6.250000e-02 : f32
    %jit3A_1070 = arith.constant 1.000000e+00 : f32
    %select_n3A_1071 = arith.select %ne3A_1064, %jit3A_1069, %jit3A_1070 : f32
    %mul3A_1072 = arith.mulf %mul3A_1060, %select_n3A_1071 : f32
    %and3A_1073 = arith.constant 8 : i32
    %and3A_1074 = arith.andi %convert_element_type3A_1014, %and3A_1073 : i32
    %ne3A_1075 = arith.constant 0 : i32
    %ne3A_1076 = arith.cmpi ne, %and3A_1074, %ne3A_1075 : i32
    %jit3A_1077 = arith.constant 2.560000e+02 : f32
    %jit3A_1078 = arith.constant 1.000000e+00 : f32
    %select_n3A_1079 = arith.select %ne3A_1076, %jit3A_1077, %jit3A_1078 : f32
    %mul3A_1080 = arith.mulf %mul3A_1068, %select_n3A_1079 : f32
    %jit3A_1081 = arith.constant 3.906250e-03 : f32
    %jit3A_1082 = arith.constant 1.000000e+00 : f32
    %select_n3A_1083 = arith.select %ne3A_1076, %jit3A_1081, %jit3A_1082 : f32
    %mul3A_1084 = arith.mulf %mul3A_1072, %select_n3A_1083 : f32
    %and3A_1085 = arith.constant 16 : i32
    %and3A_1086 = arith.andi %convert_element_type3A_1014, %and3A_1085 : i32
    %ne3A_1087 = arith.constant 0 : i32
    %ne3A_1088 = arith.cmpi ne, %and3A_1086, %ne3A_1087 : i32
    %jit3A_1089 = arith.constant 6.553600e+04 : f32
    %jit3A_1090 = arith.constant 1.000000e+00 : f32
    %select_n3A_1091 = arith.select %ne3A_1088, %jit3A_1089, %jit3A_1090 : f32
    %mul3A_1092 = arith.mulf %mul3A_1080, %select_n3A_1091 : f32
    %jit3A_1093 = arith.constant 1.52587891E-5 : f32
    %jit3A_1094 = arith.constant 1.000000e+00 : f32
    %select_n3A_1095 = arith.select %ne3A_1088, %jit3A_1093, %jit3A_1094 : f32
    %mul3A_1096 = arith.mulf %mul3A_1084, %select_n3A_1095 : f32
    %mul3A_1097 = arith.mulf %add3A_1034, %mul3A_1092 : f32
    %add3A_1098 = arith.constant 1.000000e+00 : f32
    %add3A_1099 = arith.addf %mul3A_1097, %add3A_1098 : f32
    %mul3A_1100 = arith.constant 5.000000e-01 : f32
    %mul3A_1101 = arith.mulf %mul3A_1100, %mul3A_1096 : f32
    %mul3A_1102 = arith.mulf %add3A_1099, %mul3A_1101 : f32
    %sub3A_1103 = arith.constant 2.000000e+00 : f32
    %sub3A_1104 = arith.subf %sub3A_1103, %mul3A_1102 : f32
    %mul3A_1105 = arith.mulf %mul3A_1101, %sub3A_1104 : f32
    %mul3A_1106 = arith.mulf %add3A_1099, %mul3A_1105 : f32
    %sub3A_1107 = arith.constant 2.000000e+00 : f32
    %sub3A_1108 = arith.subf %sub3A_1107, %mul3A_1106 : f32
    %mul3A_1109 = arith.mulf %mul3A_1105, %sub3A_1108 : f32
    %mul3A_1110 = arith.mulf %add3A_1099, %mul3A_1109 : f32
    %sub3A_1111 = arith.constant 2.000000e+00 : f32
    %sub3A_1112 = arith.subf %sub3A_1111, %mul3A_1110 : f32
    %mul3A_1113 = arith.mulf %mul3A_1109, %sub3A_1112 : f32
    %mul3A_1114 = arith.mulf %add3A_1099, %mul3A_1113 : f32
    %sub3A_1115 = arith.constant 2.000000e+00 : f32
    %sub3A_1116 = arith.subf %sub3A_1115, %mul3A_1114 : f32
    %mul3A_1117 = arith.mulf %mul3A_1113, %sub3A_1116 : f32
    %mul3A_1118 = arith.mulf %add3A_1099, %mul3A_1117 : f32
    %sub3A_1119 = arith.constant 2.000000e+00 : f32
    %sub3A_1120 = arith.subf %sub3A_1119, %mul3A_1118 : f32
    %mul3A_1121 = arith.mulf %mul3A_1117, %sub3A_1120 : f32
    %mul3A_1122 = arith.mulf %add3A_1099, %mul3A_1121 : f32
    %sub3A_1123 = arith.constant 2.000000e+00 : f32
    %sub3A_1124 = arith.subf %sub3A_1123, %mul3A_1122 : f32
    %mul3A_1125 = arith.mulf %mul3A_1121, %sub3A_1124 : f32
    %mul3A_1126 = arith.constant 2.000000e+00 : f32
    %mul3A_1127 = arith.mulf %mul3A_1126, %mul3A_1125 : f32
    %sub3A_1128 = arith.constant 1.000000e+00 : f32
    %sub3A_1129 = arith.subf %sub3A_1128, %mul3A_1127 : f32
    %mul3A_1130 = arith.mulf %select_n3A_1002, %sub3A_1129 : f32
    %get3A_1131 = arith.constant 7 : i32
    %get3A_1132 = arith.index_cast %get3A_1131 : i32 to index
    %get3A_1133 = memref.load %arg7[%get3A_1132] : memref<15xf32, #tpu.memory_space<smem>>
    %get3A_1134 = arith.constant 27 : i32
    %get3A_1135 = arith.index_cast %get3A_1134 : i32 to index
    %get3A_1136 = memref.load %arg6[%get3A_1135] : memref<75xf32, #tpu.memory_space<smem>>
    %mul3A_1137 = arith.mulf %mul3A_164, %get3A_1136 : f32
    %add3A_1138 = arith.addf %get3A_1133, %mul3A_1137 : f32
    %get3A_1139 = arith.constant 32 : i32
    %get3A_1140 = arith.index_cast %get3A_1139 : i32 to index
    %get3A_1141 = memref.load %arg6[%get3A_1140] : memref<75xf32, #tpu.memory_space<smem>>
    %mul3A_1142 = arith.mulf %mul3A_325, %get3A_1141 : f32
    %add3A_1143 = arith.addf %add3A_1138, %mul3A_1142 : f32
    %get3A_1144 = arith.constant 37 : i32
    %get3A_1145 = arith.index_cast %get3A_1144 : i32 to index
    %get3A_1146 = memref.load %arg6[%get3A_1145] : memref<75xf32, #tpu.memory_space<smem>>
    %mul3A_1147 = arith.mulf %mul3A_486, %get3A_1146 : f32
    %add3A_1148 = arith.addf %add3A_1143, %mul3A_1147 : f32
    %get3A_1149 = arith.constant 42 : i32
    %get3A_1150 = arith.index_cast %get3A_1149 : i32 to index
    %get3A_1151 = memref.load %arg6[%get3A_1150] : memref<75xf32, #tpu.memory_space<smem>>
    %mul3A_1152 = arith.mulf %mul3A_647, %get3A_1151 : f32
    %add3A_1153 = arith.addf %add3A_1148, %mul3A_1152 : f32
    %get3A_1154 = arith.constant 47 : i32
    %get3A_1155 = arith.index_cast %get3A_1154 : i32 to index
    %get3A_1156 = memref.load %arg6[%get3A_1155] : memref<75xf32, #tpu.memory_space<smem>>
    %mul3A_1157 = arith.mulf %mul3A_808, %get3A_1156 : f32
    %add3A_1158 = arith.addf %add3A_1153, %mul3A_1157 : f32
    %ge3A_1159 = arith.constant 0.000000e+00 : f32
    %ge3A_1160 = arith.cmpf oge, %add3A_1158, %ge3A_1159 : f32
    %jit3A_1161 = arith.constant 1.000000e+00 : f32
    %jit3A_1162 = arith.constant -1.000000e+00 : f32
    %select_n3A_1163 = arith.select %ge3A_1160, %jit3A_1161, %jit3A_1162 : f32
    %mul3A_1164 = arith.constant 2.000000e+00 : f32
    %mul3A_1165 = arith.mulf %select_n3A_1163, %mul3A_1164 : f32
    %mul3A_1166 = arith.mulf %add3A_1158, %mul3A_1165 : f32
    %gt3A_1167 = arith.constant 1.700000e+01 : f32
    %gt3A_1168 = arith.cmpf ogt, %mul3A_1166, %gt3A_1167 : f32
    %jit3A_1169 = arith.constant 1.700000e+01 : f32
    %select_n3A_1170 = arith.select %gt3A_1168, %jit3A_1169, %mul3A_1166 : f32
    %mul3A_1171 = arith.constant 1.44269502 : f32
    %mul3A_1172 = arith.mulf %select_n3A_1170, %mul3A_1171 : f32
    %add3A_1173 = arith.constant 5.000000e-01 : f32
    %add3A_1174 = arith.addf %mul3A_1172, %add3A_1173 : f32
    %convert_element_type3A_1175 = arith.fptosi %add3A_1174 : f32 to i32
    %convert_element_type3A_1176 = arith.sitofp %convert_element_type3A_1175 : i32 to f32
    %sub3A_1177 = arith.subf %mul3A_1172, %convert_element_type3A_1176 : f32
    %mul3A_1178 = arith.constant 0.693147182 : f32
    %mul3A_1179 = arith.mulf %sub3A_1177, %mul3A_1178 : f32
    %mul3A_1180 = arith.constant 0.00833333377 : f32
    %mul3A_1181 = arith.mulf %mul3A_1179, %mul3A_1180 : f32
    %add3A_1182 = arith.constant 0.0416666679 : f32
    %add3A_1183 = arith.addf %add3A_1182, %mul3A_1181 : f32
    %mul3A_1184 = arith.mulf %mul3A_1179, %add3A_1183 : f32
    %add3A_1185 = arith.constant 0.166666672 : f32
    %add3A_1186 = arith.addf %add3A_1185, %mul3A_1184 : f32
    %mul3A_1187 = arith.mulf %mul3A_1179, %add3A_1186 : f32
    %add3A_1188 = arith.constant 5.000000e-01 : f32
    %add3A_1189 = arith.addf %add3A_1188, %mul3A_1187 : f32
    %mul3A_1190 = arith.mulf %mul3A_1179, %add3A_1189 : f32
    %add3A_1191 = arith.constant 1.000000e+00 : f32
    %add3A_1192 = arith.addf %add3A_1191, %mul3A_1190 : f32
    %mul3A_1193 = arith.mulf %mul3A_1179, %add3A_1192 : f32
    %add3A_1194 = arith.constant 1.000000e+00 : f32
    %add3A_1195 = arith.addf %add3A_1194, %mul3A_1193 : f32
    %and3A_1196 = arith.constant 1 : i32
    %and3A_1197 = arith.andi %convert_element_type3A_1175, %and3A_1196 : i32
    %ne3A_1198 = arith.constant 0 : i32
    %ne3A_1199 = arith.cmpi ne, %and3A_1197, %ne3A_1198 : i32
    %jit3A_1200 = arith.constant 2.000000e+00 : f32
    %jit3A_1201 = arith.constant 1.000000e+00 : f32
    %select_n3A_1202 = arith.select %ne3A_1199, %jit3A_1200, %jit3A_1201 : f32
    %mul3A_1203 = arith.constant 1.000000e+00 : f32
    %mul3A_1204 = arith.mulf %mul3A_1203, %select_n3A_1202 : f32
    %jit3A_1205 = arith.constant 5.000000e-01 : f32
    %jit3A_1206 = arith.constant 1.000000e+00 : f32
    %select_n3A_1207 = arith.select %ne3A_1199, %jit3A_1205, %jit3A_1206 : f32
    %mul3A_1208 = arith.constant 1.000000e+00 : f32
    %mul3A_1209 = arith.mulf %mul3A_1208, %select_n3A_1207 : f32
    %and3A_1210 = arith.constant 2 : i32
    %and3A_1211 = arith.andi %convert_element_type3A_1175, %and3A_1210 : i32
    %ne3A_1212 = arith.constant 0 : i32
    %ne3A_1213 = arith.cmpi ne, %and3A_1211, %ne3A_1212 : i32
    %jit3A_1214 = arith.constant 4.000000e+00 : f32
    %jit3A_1215 = arith.constant 1.000000e+00 : f32
    %select_n3A_1216 = arith.select %ne3A_1213, %jit3A_1214, %jit3A_1215 : f32
    %mul3A_1217 = arith.mulf %mul3A_1204, %select_n3A_1216 : f32
    %jit3A_1218 = arith.constant 2.500000e-01 : f32
    %jit3A_1219 = arith.constant 1.000000e+00 : f32
    %select_n3A_1220 = arith.select %ne3A_1213, %jit3A_1218, %jit3A_1219 : f32
    %mul3A_1221 = arith.mulf %mul3A_1209, %select_n3A_1220 : f32
    %and3A_1222 = arith.constant 4 : i32
    %and3A_1223 = arith.andi %convert_element_type3A_1175, %and3A_1222 : i32
    %ne3A_1224 = arith.constant 0 : i32
    %ne3A_1225 = arith.cmpi ne, %and3A_1223, %ne3A_1224 : i32
    %jit3A_1226 = arith.constant 1.600000e+01 : f32
    %jit3A_1227 = arith.constant 1.000000e+00 : f32
    %select_n3A_1228 = arith.select %ne3A_1225, %jit3A_1226, %jit3A_1227 : f32
    %mul3A_1229 = arith.mulf %mul3A_1217, %select_n3A_1228 : f32
    %jit3A_1230 = arith.constant 6.250000e-02 : f32
    %jit3A_1231 = arith.constant 1.000000e+00 : f32
    %select_n3A_1232 = arith.select %ne3A_1225, %jit3A_1230, %jit3A_1231 : f32
    %mul3A_1233 = arith.mulf %mul3A_1221, %select_n3A_1232 : f32
    %and3A_1234 = arith.constant 8 : i32
    %and3A_1235 = arith.andi %convert_element_type3A_1175, %and3A_1234 : i32
    %ne3A_1236 = arith.constant 0 : i32
    %ne3A_1237 = arith.cmpi ne, %and3A_1235, %ne3A_1236 : i32
    %jit3A_1238 = arith.constant 2.560000e+02 : f32
    %jit3A_1239 = arith.constant 1.000000e+00 : f32
    %select_n3A_1240 = arith.select %ne3A_1237, %jit3A_1238, %jit3A_1239 : f32
    %mul3A_1241 = arith.mulf %mul3A_1229, %select_n3A_1240 : f32
    %jit3A_1242 = arith.constant 3.906250e-03 : f32
    %jit3A_1243 = arith.constant 1.000000e+00 : f32
    %select_n3A_1244 = arith.select %ne3A_1237, %jit3A_1242, %jit3A_1243 : f32
    %mul3A_1245 = arith.mulf %mul3A_1233, %select_n3A_1244 : f32
    %and3A_1246 = arith.constant 16 : i32
    %and3A_1247 = arith.andi %convert_element_type3A_1175, %and3A_1246 : i32
    %ne3A_1248 = arith.constant 0 : i32
    %ne3A_1249 = arith.cmpi ne, %and3A_1247, %ne3A_1248 : i32
    %jit3A_1250 = arith.constant 6.553600e+04 : f32
    %jit3A_1251 = arith.constant 1.000000e+00 : f32
    %select_n3A_1252 = arith.select %ne3A_1249, %jit3A_1250, %jit3A_1251 : f32
    %mul3A_1253 = arith.mulf %mul3A_1241, %select_n3A_1252 : f32
    %jit3A_1254 = arith.constant 1.52587891E-5 : f32
    %jit3A_1255 = arith.constant 1.000000e+00 : f32
    %select_n3A_1256 = arith.select %ne3A_1249, %jit3A_1254, %jit3A_1255 : f32
    %mul3A_1257 = arith.mulf %mul3A_1245, %select_n3A_1256 : f32
    %mul3A_1258 = arith.mulf %add3A_1195, %mul3A_1253 : f32
    %add3A_1259 = arith.constant 1.000000e+00 : f32
    %add3A_1260 = arith.addf %mul3A_1258, %add3A_1259 : f32
    %mul3A_1261 = arith.constant 5.000000e-01 : f32
    %mul3A_1262 = arith.mulf %mul3A_1261, %mul3A_1257 : f32
    %mul3A_1263 = arith.mulf %add3A_1260, %mul3A_1262 : f32
    %sub3A_1264 = arith.constant 2.000000e+00 : f32
    %sub3A_1265 = arith.subf %sub3A_1264, %mul3A_1263 : f32
    %mul3A_1266 = arith.mulf %mul3A_1262, %sub3A_1265 : f32
    %mul3A_1267 = arith.mulf %add3A_1260, %mul3A_1266 : f32
    %sub3A_1268 = arith.constant 2.000000e+00 : f32
    %sub3A_1269 = arith.subf %sub3A_1268, %mul3A_1267 : f32
    %mul3A_1270 = arith.mulf %mul3A_1266, %sub3A_1269 : f32
    %mul3A_1271 = arith.mulf %add3A_1260, %mul3A_1270 : f32
    %sub3A_1272 = arith.constant 2.000000e+00 : f32
    %sub3A_1273 = arith.subf %sub3A_1272, %mul3A_1271 : f32
    %mul3A_1274 = arith.mulf %mul3A_1270, %sub3A_1273 : f32
    %mul3A_1275 = arith.mulf %add3A_1260, %mul3A_1274 : f32
    %sub3A_1276 = arith.constant 2.000000e+00 : f32
    %sub3A_1277 = arith.subf %sub3A_1276, %mul3A_1275 : f32
    %mul3A_1278 = arith.mulf %mul3A_1274, %sub3A_1277 : f32
    %mul3A_1279 = arith.mulf %add3A_1260, %mul3A_1278 : f32
    %sub3A_1280 = arith.constant 2.000000e+00 : f32
    %sub3A_1281 = arith.subf %sub3A_1280, %mul3A_1279 : f32
    %mul3A_1282 = arith.mulf %mul3A_1278, %sub3A_1281 : f32
    %mul3A_1283 = arith.mulf %add3A_1260, %mul3A_1282 : f32
    %sub3A_1284 = arith.constant 2.000000e+00 : f32
    %sub3A_1285 = arith.subf %sub3A_1284, %mul3A_1283 : f32
    %mul3A_1286 = arith.mulf %mul3A_1282, %sub3A_1285 : f32
    %mul3A_1287 = arith.constant 2.000000e+00 : f32
    %mul3A_1288 = arith.mulf %mul3A_1287, %mul3A_1286 : f32
    %sub3A_1289 = arith.constant 1.000000e+00 : f32
    %sub3A_1290 = arith.subf %sub3A_1289, %mul3A_1288 : f32
    %mul3A_1291 = arith.mulf %select_n3A_1163, %sub3A_1290 : f32
    %get3A_1292 = arith.constant 8 : i32
    %get3A_1293 = arith.index_cast %get3A_1292 : i32 to index
    %get3A_1294 = memref.load %arg7[%get3A_1293] : memref<15xf32, #tpu.memory_space<smem>>
    %get3A_1295 = arith.constant 28 : i32
    %get3A_1296 = arith.index_cast %get3A_1295 : i32 to index
    %get3A_1297 = memref.load %arg6[%get3A_1296] : memref<75xf32, #tpu.memory_space<smem>>
    %mul3A_1298 = arith.mulf %mul3A_164, %get3A_1297 : f32
    %add3A_1299 = arith.addf %get3A_1294, %mul3A_1298 : f32
    %get3A_1300 = arith.constant 33 : i32
    %get3A_1301 = arith.index_cast %get3A_1300 : i32 to index
    %get3A_1302 = memref.load %arg6[%get3A_1301] : memref<75xf32, #tpu.memory_space<smem>>
    %mul3A_1303 = arith.mulf %mul3A_325, %get3A_1302 : f32
    %add3A_1304 = arith.addf %add3A_1299, %mul3A_1303 : f32
    %get3A_1305 = arith.constant 38 : i32
    %get3A_1306 = arith.index_cast %get3A_1305 : i32 to index
    %get3A_1307 = memref.load %arg6[%get3A_1306] : memref<75xf32, #tpu.memory_space<smem>>
    %mul3A_1308 = arith.mulf %mul3A_486, %get3A_1307 : f32
    %add3A_1309 = arith.addf %add3A_1304, %mul3A_1308 : f32
    %get3A_1310 = arith.constant 43 : i32
    %get3A_1311 = arith.index_cast %get3A_1310 : i32 to index
    %get3A_1312 = memref.load %arg6[%get3A_1311] : memref<75xf32, #tpu.memory_space<smem>>
    %mul3A_1313 = arith.mulf %mul3A_647, %get3A_1312 : f32
    %add3A_1314 = arith.addf %add3A_1309, %mul3A_1313 : f32
    %get3A_1315 = arith.constant 48 : i32
    %get3A_1316 = arith.index_cast %get3A_1315 : i32 to index
    %get3A_1317 = memref.load %arg6[%get3A_1316] : memref<75xf32, #tpu.memory_space<smem>>
    %mul3A_1318 = arith.mulf %mul3A_808, %get3A_1317 : f32
    %add3A_1319 = arith.addf %add3A_1314, %mul3A_1318 : f32
    %ge3A_1320 = arith.constant 0.000000e+00 : f32
    %ge3A_1321 = arith.cmpf oge, %add3A_1319, %ge3A_1320 : f32
    %jit3A_1322 = arith.constant 1.000000e+00 : f32
    %jit3A_1323 = arith.constant -1.000000e+00 : f32
    %select_n3A_1324 = arith.select %ge3A_1321, %jit3A_1322, %jit3A_1323 : f32
    %mul3A_1325 = arith.constant 2.000000e+00 : f32
    %mul3A_1326 = arith.mulf %select_n3A_1324, %mul3A_1325 : f32
    %mul3A_1327 = arith.mulf %add3A_1319, %mul3A_1326 : f32
    %gt3A_1328 = arith.constant 1.700000e+01 : f32
    %gt3A_1329 = arith.cmpf ogt, %mul3A_1327, %gt3A_1328 : f32
    %jit3A_1330 = arith.constant 1.700000e+01 : f32
    %select_n3A_1331 = arith.select %gt3A_1329, %jit3A_1330, %mul3A_1327 : f32
    %mul3A_1332 = arith.constant 1.44269502 : f32
    %mul3A_1333 = arith.mulf %select_n3A_1331, %mul3A_1332 : f32
    %add3A_1334 = arith.constant 5.000000e-01 : f32
    %add3A_1335 = arith.addf %mul3A_1333, %add3A_1334 : f32
    %convert_element_type3A_1336 = arith.fptosi %add3A_1335 : f32 to i32
    %convert_element_type3A_1337 = arith.sitofp %convert_element_type3A_1336 : i32 to f32
    %sub3A_1338 = arith.subf %mul3A_1333, %convert_element_type3A_1337 : f32
    %mul3A_1339 = arith.constant 0.693147182 : f32
    %mul3A_1340 = arith.mulf %sub3A_1338, %mul3A_1339 : f32
    %mul3A_1341 = arith.constant 0.00833333377 : f32
    %mul3A_1342 = arith.mulf %mul3A_1340, %mul3A_1341 : f32
    %add3A_1343 = arith.constant 0.0416666679 : f32
    %add3A_1344 = arith.addf %add3A_1343, %mul3A_1342 : f32
    %mul3A_1345 = arith.mulf %mul3A_1340, %add3A_1344 : f32
    %add3A_1346 = arith.constant 0.166666672 : f32
    %add3A_1347 = arith.addf %add3A_1346, %mul3A_1345 : f32
    %mul3A_1348 = arith.mulf %mul3A_1340, %add3A_1347 : f32
    %add3A_1349 = arith.constant 5.000000e-01 : f32
    %add3A_1350 = arith.addf %add3A_1349, %mul3A_1348 : f32
    %mul3A_1351 = arith.mulf %mul3A_1340, %add3A_1350 : f32
    %add3A_1352 = arith.constant 1.000000e+00 : f32
    %add3A_1353 = arith.addf %add3A_1352, %mul3A_1351 : f32
    %mul3A_1354 = arith.mulf %mul3A_1340, %add3A_1353 : f32
    %add3A_1355 = arith.constant 1.000000e+00 : f32
    %add3A_1356 = arith.addf %add3A_1355, %mul3A_1354 : f32
    %and3A_1357 = arith.constant 1 : i32
    %and3A_1358 = arith.andi %convert_element_type3A_1336, %and3A_1357 : i32
    %ne3A_1359 = arith.constant 0 : i32
    %ne3A_1360 = arith.cmpi ne, %and3A_1358, %ne3A_1359 : i32
    %jit3A_1361 = arith.constant 2.000000e+00 : f32
    %jit3A_1362 = arith.constant 1.000000e+00 : f32
    %select_n3A_1363 = arith.select %ne3A_1360, %jit3A_1361, %jit3A_1362 : f32
    %mul3A_1364 = arith.constant 1.000000e+00 : f32
    %mul3A_1365 = arith.mulf %mul3A_1364, %select_n3A_1363 : f32
    %jit3A_1366 = arith.constant 5.000000e-01 : f32
    %jit3A_1367 = arith.constant 1.000000e+00 : f32
    %select_n3A_1368 = arith.select %ne3A_1360, %jit3A_1366, %jit3A_1367 : f32
    %mul3A_1369 = arith.constant 1.000000e+00 : f32
    %mul3A_1370 = arith.mulf %mul3A_1369, %select_n3A_1368 : f32
    %and3A_1371 = arith.constant 2 : i32
    %and3A_1372 = arith.andi %convert_element_type3A_1336, %and3A_1371 : i32
    %ne3A_1373 = arith.constant 0 : i32
    %ne3A_1374 = arith.cmpi ne, %and3A_1372, %ne3A_1373 : i32
    %jit3A_1375 = arith.constant 4.000000e+00 : f32
    %jit3A_1376 = arith.constant 1.000000e+00 : f32
    %select_n3A_1377 = arith.select %ne3A_1374, %jit3A_1375, %jit3A_1376 : f32
    %mul3A_1378 = arith.mulf %mul3A_1365, %select_n3A_1377 : f32
    %jit3A_1379 = arith.constant 2.500000e-01 : f32
    %jit3A_1380 = arith.constant 1.000000e+00 : f32
    %select_n3A_1381 = arith.select %ne3A_1374, %jit3A_1379, %jit3A_1380 : f32
    %mul3A_1382 = arith.mulf %mul3A_1370, %select_n3A_1381 : f32
    %and3A_1383 = arith.constant 4 : i32
    %and3A_1384 = arith.andi %convert_element_type3A_1336, %and3A_1383 : i32
    %ne3A_1385 = arith.constant 0 : i32
    %ne3A_1386 = arith.cmpi ne, %and3A_1384, %ne3A_1385 : i32
    %jit3A_1387 = arith.constant 1.600000e+01 : f32
    %jit3A_1388 = arith.constant 1.000000e+00 : f32
    %select_n3A_1389 = arith.select %ne3A_1386, %jit3A_1387, %jit3A_1388 : f32
    %mul3A_1390 = arith.mulf %mul3A_1378, %select_n3A_1389 : f32
    %jit3A_1391 = arith.constant 6.250000e-02 : f32
    %jit3A_1392 = arith.constant 1.000000e+00 : f32
    %select_n3A_1393 = arith.select %ne3A_1386, %jit3A_1391, %jit3A_1392 : f32
    %mul3A_1394 = arith.mulf %mul3A_1382, %select_n3A_1393 : f32
    %and3A_1395 = arith.constant 8 : i32
    %and3A_1396 = arith.andi %convert_element_type3A_1336, %and3A_1395 : i32
    %ne3A_1397 = arith.constant 0 : i32
    %ne3A_1398 = arith.cmpi ne, %and3A_1396, %ne3A_1397 : i32
    %jit3A_1399 = arith.constant 2.560000e+02 : f32
    %jit3A_1400 = arith.constant 1.000000e+00 : f32
    %select_n3A_1401 = arith.select %ne3A_1398, %jit3A_1399, %jit3A_1400 : f32
    %mul3A_1402 = arith.mulf %mul3A_1390, %select_n3A_1401 : f32
    %jit3A_1403 = arith.constant 3.906250e-03 : f32
    %jit3A_1404 = arith.constant 1.000000e+00 : f32
    %select_n3A_1405 = arith.select %ne3A_1398, %jit3A_1403, %jit3A_1404 : f32
    %mul3A_1406 = arith.mulf %mul3A_1394, %select_n3A_1405 : f32
    %and3A_1407 = arith.constant 16 : i32
    %and3A_1408 = arith.andi %convert_element_type3A_1336, %and3A_1407 : i32
    %ne3A_1409 = arith.constant 0 : i32
    %ne3A_1410 = arith.cmpi ne, %and3A_1408, %ne3A_1409 : i32
    %jit3A_1411 = arith.constant 6.553600e+04 : f32
    %jit3A_1412 = arith.constant 1.000000e+00 : f32
    %select_n3A_1413 = arith.select %ne3A_1410, %jit3A_1411, %jit3A_1412 : f32
    %mul3A_1414 = arith.mulf %mul3A_1402, %select_n3A_1413 : f32
    %jit3A_1415 = arith.constant 1.52587891E-5 : f32
    %jit3A_1416 = arith.constant 1.000000e+00 : f32
    %select_n3A_1417 = arith.select %ne3A_1410, %jit3A_1415, %jit3A_1416 : f32
    %mul3A_1418 = arith.mulf %mul3A_1406, %select_n3A_1417 : f32
    %mul3A_1419 = arith.mulf %add3A_1356, %mul3A_1414 : f32
    %add3A_1420 = arith.constant 1.000000e+00 : f32
    %add3A_1421 = arith.addf %mul3A_1419, %add3A_1420 : f32
    %mul3A_1422 = arith.constant 5.000000e-01 : f32
    %mul3A_1423 = arith.mulf %mul3A_1422, %mul3A_1418 : f32
    %mul3A_1424 = arith.mulf %add3A_1421, %mul3A_1423 : f32
    %sub3A_1425 = arith.constant 2.000000e+00 : f32
    %sub3A_1426 = arith.subf %sub3A_1425, %mul3A_1424 : f32
    %mul3A_1427 = arith.mulf %mul3A_1423, %sub3A_1426 : f32
    %mul3A_1428 = arith.mulf %add3A_1421, %mul3A_1427 : f32
    %sub3A_1429 = arith.constant 2.000000e+00 : f32
    %sub3A_1430 = arith.subf %sub3A_1429, %mul3A_1428 : f32
    %mul3A_1431 = arith.mulf %mul3A_1427, %sub3A_1430 : f32
    %mul3A_1432 = arith.mulf %add3A_1421, %mul3A_1431 : f32
    %sub3A_1433 = arith.constant 2.000000e+00 : f32
    %sub3A_1434 = arith.subf %sub3A_1433, %mul3A_1432 : f32
    %mul3A_1435 = arith.mulf %mul3A_1431, %sub3A_1434 : f32
    %mul3A_1436 = arith.mulf %add3A_1421, %mul3A_1435 : f32
    %sub3A_1437 = arith.constant 2.000000e+00 : f32
    %sub3A_1438 = arith.subf %sub3A_1437, %mul3A_1436 : f32
    %mul3A_1439 = arith.mulf %mul3A_1435, %sub3A_1438 : f32
    %mul3A_1440 = arith.mulf %add3A_1421, %mul3A_1439 : f32
    %sub3A_1441 = arith.constant 2.000000e+00 : f32
    %sub3A_1442 = arith.subf %sub3A_1441, %mul3A_1440 : f32
    %mul3A_1443 = arith.mulf %mul3A_1439, %sub3A_1442 : f32
    %mul3A_1444 = arith.mulf %add3A_1421, %mul3A_1443 : f32
    %sub3A_1445 = arith.constant 2.000000e+00 : f32
    %sub3A_1446 = arith.subf %sub3A_1445, %mul3A_1444 : f32
    %mul3A_1447 = arith.mulf %mul3A_1443, %sub3A_1446 : f32
    %mul3A_1448 = arith.constant 2.000000e+00 : f32
    %mul3A_1449 = arith.mulf %mul3A_1448, %mul3A_1447 : f32
    %sub3A_1450 = arith.constant 1.000000e+00 : f32
    %sub3A_1451 = arith.subf %sub3A_1450, %mul3A_1449 : f32
    %mul3A_1452 = arith.mulf %select_n3A_1324, %sub3A_1451 : f32
    %get3A_1453 = arith.constant 9 : i32
    %get3A_1454 = arith.index_cast %get3A_1453 : i32 to index
    %get3A_1455 = memref.load %arg7[%get3A_1454] : memref<15xf32, #tpu.memory_space<smem>>
    %get3A_1456 = arith.constant 29 : i32
    %get3A_1457 = arith.index_cast %get3A_1456 : i32 to index
    %get3A_1458 = memref.load %arg6[%get3A_1457] : memref<75xf32, #tpu.memory_space<smem>>
    %mul3A_1459 = arith.mulf %mul3A_164, %get3A_1458 : f32
    %add3A_1460 = arith.addf %get3A_1455, %mul3A_1459 : f32
    %get3A_1461 = arith.constant 34 : i32
    %get3A_1462 = arith.index_cast %get3A_1461 : i32 to index
    %get3A_1463 = memref.load %arg6[%get3A_1462] : memref<75xf32, #tpu.memory_space<smem>>
    %mul3A_1464 = arith.mulf %mul3A_325, %get3A_1463 : f32
    %add3A_1465 = arith.addf %add3A_1460, %mul3A_1464 : f32
    %get3A_1466 = arith.constant 39 : i32
    %get3A_1467 = arith.index_cast %get3A_1466 : i32 to index
    %get3A_1468 = memref.load %arg6[%get3A_1467] : memref<75xf32, #tpu.memory_space<smem>>
    %mul3A_1469 = arith.mulf %mul3A_486, %get3A_1468 : f32
    %add3A_1470 = arith.addf %add3A_1465, %mul3A_1469 : f32
    %get3A_1471 = arith.constant 44 : i32
    %get3A_1472 = arith.index_cast %get3A_1471 : i32 to index
    %get3A_1473 = memref.load %arg6[%get3A_1472] : memref<75xf32, #tpu.memory_space<smem>>
    %mul3A_1474 = arith.mulf %mul3A_647, %get3A_1473 : f32
    %add3A_1475 = arith.addf %add3A_1470, %mul3A_1474 : f32
    %get3A_1476 = arith.constant 49 : i32
    %get3A_1477 = arith.index_cast %get3A_1476 : i32 to index
    %get3A_1478 = memref.load %arg6[%get3A_1477] : memref<75xf32, #tpu.memory_space<smem>>
    %mul3A_1479 = arith.mulf %mul3A_808, %get3A_1478 : f32
    %add3A_1480 = arith.addf %add3A_1475, %mul3A_1479 : f32
    %ge3A_1481 = arith.constant 0.000000e+00 : f32
    %ge3A_1482 = arith.cmpf oge, %add3A_1480, %ge3A_1481 : f32
    %jit3A_1483 = arith.constant 1.000000e+00 : f32
    %jit3A_1484 = arith.constant -1.000000e+00 : f32
    %select_n3A_1485 = arith.select %ge3A_1482, %jit3A_1483, %jit3A_1484 : f32
    %mul3A_1486 = arith.constant 2.000000e+00 : f32
    %mul3A_1487 = arith.mulf %select_n3A_1485, %mul3A_1486 : f32
    %mul3A_1488 = arith.mulf %add3A_1480, %mul3A_1487 : f32
    %gt3A_1489 = arith.constant 1.700000e+01 : f32
    %gt3A_1490 = arith.cmpf ogt, %mul3A_1488, %gt3A_1489 : f32
    %jit3A_1491 = arith.constant 1.700000e+01 : f32
    %select_n3A_1492 = arith.select %gt3A_1490, %jit3A_1491, %mul3A_1488 : f32
    %mul3A_1493 = arith.constant 1.44269502 : f32
    %mul3A_1494 = arith.mulf %select_n3A_1492, %mul3A_1493 : f32
    %add3A_1495 = arith.constant 5.000000e-01 : f32
    %add3A_1496 = arith.addf %mul3A_1494, %add3A_1495 : f32
    %convert_element_type3A_1497 = arith.fptosi %add3A_1496 : f32 to i32
    %convert_element_type3A_1498 = arith.sitofp %convert_element_type3A_1497 : i32 to f32
    %sub3A_1499 = arith.subf %mul3A_1494, %convert_element_type3A_1498 : f32
    %mul3A_1500 = arith.constant 0.693147182 : f32
    %mul3A_1501 = arith.mulf %sub3A_1499, %mul3A_1500 : f32
    %mul3A_1502 = arith.constant 0.00833333377 : f32
    %mul3A_1503 = arith.mulf %mul3A_1501, %mul3A_1502 : f32
    %add3A_1504 = arith.constant 0.0416666679 : f32
    %add3A_1505 = arith.addf %add3A_1504, %mul3A_1503 : f32
    %mul3A_1506 = arith.mulf %mul3A_1501, %add3A_1505 : f32
    %add3A_1507 = arith.constant 0.166666672 : f32
    %add3A_1508 = arith.addf %add3A_1507, %mul3A_1506 : f32
    %mul3A_1509 = arith.mulf %mul3A_1501, %add3A_1508 : f32
    %add3A_1510 = arith.constant 5.000000e-01 : f32
    %add3A_1511 = arith.addf %add3A_1510, %mul3A_1509 : f32
    %mul3A_1512 = arith.mulf %mul3A_1501, %add3A_1511 : f32
    %add3A_1513 = arith.constant 1.000000e+00 : f32
    %add3A_1514 = arith.addf %add3A_1513, %mul3A_1512 : f32
    %mul3A_1515 = arith.mulf %mul3A_1501, %add3A_1514 : f32
    %add3A_1516 = arith.constant 1.000000e+00 : f32
    %add3A_1517 = arith.addf %add3A_1516, %mul3A_1515 : f32
    %and3A_1518 = arith.constant 1 : i32
    %and3A_1519 = arith.andi %convert_element_type3A_1497, %and3A_1518 : i32
    %ne3A_1520 = arith.constant 0 : i32
    %ne3A_1521 = arith.cmpi ne, %and3A_1519, %ne3A_1520 : i32
    %jit3A_1522 = arith.constant 2.000000e+00 : f32
    %jit3A_1523 = arith.constant 1.000000e+00 : f32
    %select_n3A_1524 = arith.select %ne3A_1521, %jit3A_1522, %jit3A_1523 : f32
    %mul3A_1525 = arith.constant 1.000000e+00 : f32
    %mul3A_1526 = arith.mulf %mul3A_1525, %select_n3A_1524 : f32
    %jit3A_1527 = arith.constant 5.000000e-01 : f32
    %jit3A_1528 = arith.constant 1.000000e+00 : f32
    %select_n3A_1529 = arith.select %ne3A_1521, %jit3A_1527, %jit3A_1528 : f32
    %mul3A_1530 = arith.constant 1.000000e+00 : f32
    %mul3A_1531 = arith.mulf %mul3A_1530, %select_n3A_1529 : f32
    %and3A_1532 = arith.constant 2 : i32
    %and3A_1533 = arith.andi %convert_element_type3A_1497, %and3A_1532 : i32
    %ne3A_1534 = arith.constant 0 : i32
    %ne3A_1535 = arith.cmpi ne, %and3A_1533, %ne3A_1534 : i32
    %jit3A_1536 = arith.constant 4.000000e+00 : f32
    %jit3A_1537 = arith.constant 1.000000e+00 : f32
    %select_n3A_1538 = arith.select %ne3A_1535, %jit3A_1536, %jit3A_1537 : f32
    %mul3A_1539 = arith.mulf %mul3A_1526, %select_n3A_1538 : f32
    %jit3A_1540 = arith.constant 2.500000e-01 : f32
    %jit3A_1541 = arith.constant 1.000000e+00 : f32
    %select_n3A_1542 = arith.select %ne3A_1535, %jit3A_1540, %jit3A_1541 : f32
    %mul3A_1543 = arith.mulf %mul3A_1531, %select_n3A_1542 : f32
    %and3A_1544 = arith.constant 4 : i32
    %and3A_1545 = arith.andi %convert_element_type3A_1497, %and3A_1544 : i32
    %ne3A_1546 = arith.constant 0 : i32
    %ne3A_1547 = arith.cmpi ne, %and3A_1545, %ne3A_1546 : i32
    %jit3A_1548 = arith.constant 1.600000e+01 : f32
    %jit3A_1549 = arith.constant 1.000000e+00 : f32
    %select_n3A_1550 = arith.select %ne3A_1547, %jit3A_1548, %jit3A_1549 : f32
    %mul3A_1551 = arith.mulf %mul3A_1539, %select_n3A_1550 : f32
    %jit3A_1552 = arith.constant 6.250000e-02 : f32
    %jit3A_1553 = arith.constant 1.000000e+00 : f32
    %select_n3A_1554 = arith.select %ne3A_1547, %jit3A_1552, %jit3A_1553 : f32
    %mul3A_1555 = arith.mulf %mul3A_1543, %select_n3A_1554 : f32
    %and3A_1556 = arith.constant 8 : i32
    %and3A_1557 = arith.andi %convert_element_type3A_1497, %and3A_1556 : i32
    %ne3A_1558 = arith.constant 0 : i32
    %ne3A_1559 = arith.cmpi ne, %and3A_1557, %ne3A_1558 : i32
    %jit3A_1560 = arith.constant 2.560000e+02 : f32
    %jit3A_1561 = arith.constant 1.000000e+00 : f32
    %select_n3A_1562 = arith.select %ne3A_1559, %jit3A_1560, %jit3A_1561 : f32
    %mul3A_1563 = arith.mulf %mul3A_1551, %select_n3A_1562 : f32
    %jit3A_1564 = arith.constant 3.906250e-03 : f32
    %jit3A_1565 = arith.constant 1.000000e+00 : f32
    %select_n3A_1566 = arith.select %ne3A_1559, %jit3A_1564, %jit3A_1565 : f32
    %mul3A_1567 = arith.mulf %mul3A_1555, %select_n3A_1566 : f32
    %and3A_1568 = arith.constant 16 : i32
    %and3A_1569 = arith.andi %convert_element_type3A_1497, %and3A_1568 : i32
    %ne3A_1570 = arith.constant 0 : i32
    %ne3A_1571 = arith.cmpi ne, %and3A_1569, %ne3A_1570 : i32
    %jit3A_1572 = arith.constant 6.553600e+04 : f32
    %jit3A_1573 = arith.constant 1.000000e+00 : f32
    %select_n3A_1574 = arith.select %ne3A_1571, %jit3A_1572, %jit3A_1573 : f32
    %mul3A_1575 = arith.mulf %mul3A_1563, %select_n3A_1574 : f32
    %jit3A_1576 = arith.constant 1.52587891E-5 : f32
    %jit3A_1577 = arith.constant 1.000000e+00 : f32
    %select_n3A_1578 = arith.select %ne3A_1571, %jit3A_1576, %jit3A_1577 : f32
    %mul3A_1579 = arith.mulf %mul3A_1567, %select_n3A_1578 : f32
    %mul3A_1580 = arith.mulf %add3A_1517, %mul3A_1575 : f32
    %add3A_1581 = arith.constant 1.000000e+00 : f32
    %add3A_1582 = arith.addf %mul3A_1580, %add3A_1581 : f32
    %mul3A_1583 = arith.constant 5.000000e-01 : f32
    %mul3A_1584 = arith.mulf %mul3A_1583, %mul3A_1579 : f32
    %mul3A_1585 = arith.mulf %add3A_1582, %mul3A_1584 : f32
    %sub3A_1586 = arith.constant 2.000000e+00 : f32
    %sub3A_1587 = arith.subf %sub3A_1586, %mul3A_1585 : f32
    %mul3A_1588 = arith.mulf %mul3A_1584, %sub3A_1587 : f32
    %mul3A_1589 = arith.mulf %add3A_1582, %mul3A_1588 : f32
    %sub3A_1590 = arith.constant 2.000000e+00 : f32
    %sub3A_1591 = arith.subf %sub3A_1590, %mul3A_1589 : f32
    %mul3A_1592 = arith.mulf %mul3A_1588, %sub3A_1591 : f32
    %mul3A_1593 = arith.mulf %add3A_1582, %mul3A_1592 : f32
    %sub3A_1594 = arith.constant 2.000000e+00 : f32
    %sub3A_1595 = arith.subf %sub3A_1594, %mul3A_1593 : f32
    %mul3A_1596 = arith.mulf %mul3A_1592, %sub3A_1595 : f32
    %mul3A_1597 = arith.mulf %add3A_1582, %mul3A_1596 : f32
    %sub3A_1598 = arith.constant 2.000000e+00 : f32
    %sub3A_1599 = arith.subf %sub3A_1598, %mul3A_1597 : f32
    %mul3A_1600 = arith.mulf %mul3A_1596, %sub3A_1599 : f32
    %mul3A_1601 = arith.mulf %add3A_1582, %mul3A_1600 : f32
    %sub3A_1602 = arith.constant 2.000000e+00 : f32
    %sub3A_1603 = arith.subf %sub3A_1602, %mul3A_1601 : f32
    %mul3A_1604 = arith.mulf %mul3A_1600, %sub3A_1603 : f32
    %mul3A_1605 = arith.mulf %add3A_1582, %mul3A_1604 : f32
    %sub3A_1606 = arith.constant 2.000000e+00 : f32
    %sub3A_1607 = arith.subf %sub3A_1606, %mul3A_1605 : f32
    %mul3A_1608 = arith.mulf %mul3A_1604, %sub3A_1607 : f32
    %mul3A_1609 = arith.constant 2.000000e+00 : f32
    %mul3A_1610 = arith.mulf %mul3A_1609, %mul3A_1608 : f32
    %sub3A_1611 = arith.constant 1.000000e+00 : f32
    %sub3A_1612 = arith.subf %sub3A_1611, %mul3A_1610 : f32
    %mul3A_1613 = arith.mulf %select_n3A_1485, %sub3A_1612 : f32
    %get3A_1614 = arith.constant 10 : i32
    %get3A_1615 = arith.index_cast %get3A_1614 : i32 to index
    %get3A_1616 = memref.load %arg7[%get3A_1615] : memref<15xf32, #tpu.memory_space<smem>>
    %get3A_1617 = arith.constant 50 : i32
    %get3A_1618 = arith.index_cast %get3A_1617 : i32 to index
    %get3A_1619 = memref.load %arg6[%get3A_1618] : memref<75xf32, #tpu.memory_space<smem>>
    %mul3A_1620 = arith.mulf %mul3A_969, %get3A_1619 : f32
    %add3A_1621 = arith.addf %get3A_1616, %mul3A_1620 : f32
    %get3A_1622 = arith.constant 55 : i32
    %get3A_1623 = arith.index_cast %get3A_1622 : i32 to index
    %get3A_1624 = memref.load %arg6[%get3A_1623] : memref<75xf32, #tpu.memory_space<smem>>
    %mul3A_1625 = arith.mulf %mul3A_1130, %get3A_1624 : f32
    %add3A_1626 = arith.addf %add3A_1621, %mul3A_1625 : f32
    %get3A_1627 = arith.constant 60 : i32
    %get3A_1628 = arith.index_cast %get3A_1627 : i32 to index
    %get3A_1629 = memref.load %arg6[%get3A_1628] : memref<75xf32, #tpu.memory_space<smem>>
    %mul3A_1630 = arith.mulf %mul3A_1291, %get3A_1629 : f32
    %add3A_1631 = arith.addf %add3A_1626, %mul3A_1630 : f32
    %get3A_1632 = arith.constant 65 : i32
    %get3A_1633 = arith.index_cast %get3A_1632 : i32 to index
    %get3A_1634 = memref.load %arg6[%get3A_1633] : memref<75xf32, #tpu.memory_space<smem>>
    %mul3A_1635 = arith.mulf %mul3A_1452, %get3A_1634 : f32
    %add3A_1636 = arith.addf %add3A_1631, %mul3A_1635 : f32
    %get3A_1637 = arith.constant 70 : i32
    %get3A_1638 = arith.index_cast %get3A_1637 : i32 to index
    %get3A_1639 = memref.load %arg6[%get3A_1638] : memref<75xf32, #tpu.memory_space<smem>>
    %mul3A_1640 = arith.mulf %mul3A_1613, %get3A_1639 : f32
    %add3A_1641 = arith.addf %add3A_1636, %mul3A_1640 : f32
    %get3A_1642 = arith.constant 11 : i32
    %get3A_1643 = arith.index_cast %get3A_1642 : i32 to index
    %get3A_1644 = memref.load %arg7[%get3A_1643] : memref<15xf32, #tpu.memory_space<smem>>
    %get3A_1645 = arith.constant 51 : i32
    %get3A_1646 = arith.index_cast %get3A_1645 : i32 to index
    %get3A_1647 = memref.load %arg6[%get3A_1646] : memref<75xf32, #tpu.memory_space<smem>>
    %mul3A_1648 = arith.mulf %mul3A_969, %get3A_1647 : f32
    %add3A_1649 = arith.addf %get3A_1644, %mul3A_1648 : f32
    %get3A_1650 = arith.constant 56 : i32
    %get3A_1651 = arith.index_cast %get3A_1650 : i32 to index
    %get3A_1652 = memref.load %arg6[%get3A_1651] : memref<75xf32, #tpu.memory_space<smem>>
    %mul3A_1653 = arith.mulf %mul3A_1130, %get3A_1652 : f32
    %add3A_1654 = arith.addf %add3A_1649, %mul3A_1653 : f32
    %get3A_1655 = arith.constant 61 : i32
    %get3A_1656 = arith.index_cast %get3A_1655 : i32 to index
    %get3A_1657 = memref.load %arg6[%get3A_1656] : memref<75xf32, #tpu.memory_space<smem>>
    %mul3A_1658 = arith.mulf %mul3A_1291, %get3A_1657 : f32
    %add3A_1659 = arith.addf %add3A_1654, %mul3A_1658 : f32
    %get3A_1660 = arith.constant 66 : i32
    %get3A_1661 = arith.index_cast %get3A_1660 : i32 to index
    %get3A_1662 = memref.load %arg6[%get3A_1661] : memref<75xf32, #tpu.memory_space<smem>>
    %mul3A_1663 = arith.mulf %mul3A_1452, %get3A_1662 : f32
    %add3A_1664 = arith.addf %add3A_1659, %mul3A_1663 : f32
    %get3A_1665 = arith.constant 71 : i32
    %get3A_1666 = arith.index_cast %get3A_1665 : i32 to index
    %get3A_1667 = memref.load %arg6[%get3A_1666] : memref<75xf32, #tpu.memory_space<smem>>
    %mul3A_1668 = arith.mulf %mul3A_1613, %get3A_1667 : f32
    %add3A_1669 = arith.addf %add3A_1664, %mul3A_1668 : f32
    %get3A_1670 = arith.constant 12 : i32
    %get3A_1671 = arith.index_cast %get3A_1670 : i32 to index
    %get3A_1672 = memref.load %arg7[%get3A_1671] : memref<15xf32, #tpu.memory_space<smem>>
    %get3A_1673 = arith.constant 52 : i32
    %get3A_1674 = arith.index_cast %get3A_1673 : i32 to index
    %get3A_1675 = memref.load %arg6[%get3A_1674] : memref<75xf32, #tpu.memory_space<smem>>
    %mul3A_1676 = arith.mulf %mul3A_969, %get3A_1675 : f32
    %add3A_1677 = arith.addf %get3A_1672, %mul3A_1676 : f32
    %get3A_1678 = arith.constant 57 : i32
    %get3A_1679 = arith.index_cast %get3A_1678 : i32 to index
    %get3A_1680 = memref.load %arg6[%get3A_1679] : memref<75xf32, #tpu.memory_space<smem>>
    %mul3A_1681 = arith.mulf %mul3A_1130, %get3A_1680 : f32
    %add3A_1682 = arith.addf %add3A_1677, %mul3A_1681 : f32
    %get3A_1683 = arith.constant 62 : i32
    %get3A_1684 = arith.index_cast %get3A_1683 : i32 to index
    %get3A_1685 = memref.load %arg6[%get3A_1684] : memref<75xf32, #tpu.memory_space<smem>>
    %mul3A_1686 = arith.mulf %mul3A_1291, %get3A_1685 : f32
    %add3A_1687 = arith.addf %add3A_1682, %mul3A_1686 : f32
    %get3A_1688 = arith.constant 67 : i32
    %get3A_1689 = arith.index_cast %get3A_1688 : i32 to index
    %get3A_1690 = memref.load %arg6[%get3A_1689] : memref<75xf32, #tpu.memory_space<smem>>
    %mul3A_1691 = arith.mulf %mul3A_1452, %get3A_1690 : f32
    %add3A_1692 = arith.addf %add3A_1687, %mul3A_1691 : f32
    %get3A_1693 = arith.constant 72 : i32
    %get3A_1694 = arith.index_cast %get3A_1693 : i32 to index
    %get3A_1695 = memref.load %arg6[%get3A_1694] : memref<75xf32, #tpu.memory_space<smem>>
    %mul3A_1696 = arith.mulf %mul3A_1613, %get3A_1695 : f32
    %add3A_1697 = arith.addf %add3A_1692, %mul3A_1696 : f32
    %get3A_1698 = arith.constant 13 : i32
    %get3A_1699 = arith.index_cast %get3A_1698 : i32 to index
    %get3A_1700 = memref.load %arg7[%get3A_1699] : memref<15xf32, #tpu.memory_space<smem>>
    %get3A_1701 = arith.constant 53 : i32
    %get3A_1702 = arith.index_cast %get3A_1701 : i32 to index
    %get3A_1703 = memref.load %arg6[%get3A_1702] : memref<75xf32, #tpu.memory_space<smem>>
    %mul3A_1704 = arith.mulf %mul3A_969, %get3A_1703 : f32
    %add3A_1705 = arith.addf %get3A_1700, %mul3A_1704 : f32
    %get3A_1706 = arith.constant 58 : i32
    %get3A_1707 = arith.index_cast %get3A_1706 : i32 to index
    %get3A_1708 = memref.load %arg6[%get3A_1707] : memref<75xf32, #tpu.memory_space<smem>>
    %mul3A_1709 = arith.mulf %mul3A_1130, %get3A_1708 : f32
    %add3A_1710 = arith.addf %add3A_1705, %mul3A_1709 : f32
    %get3A_1711 = arith.constant 63 : i32
    %get3A_1712 = arith.index_cast %get3A_1711 : i32 to index
    %get3A_1713 = memref.load %arg6[%get3A_1712] : memref<75xf32, #tpu.memory_space<smem>>
    %mul3A_1714 = arith.mulf %mul3A_1291, %get3A_1713 : f32
    %add3A_1715 = arith.addf %add3A_1710, %mul3A_1714 : f32
    %get3A_1716 = arith.constant 68 : i32
    %get3A_1717 = arith.index_cast %get3A_1716 : i32 to index
    %get3A_1718 = memref.load %arg6[%get3A_1717] : memref<75xf32, #tpu.memory_space<smem>>
    %mul3A_1719 = arith.mulf %mul3A_1452, %get3A_1718 : f32
    %add3A_1720 = arith.addf %add3A_1715, %mul3A_1719 : f32
    %get3A_1721 = arith.constant 73 : i32
    %get3A_1722 = arith.index_cast %get3A_1721 : i32 to index
    %get3A_1723 = memref.load %arg6[%get3A_1722] : memref<75xf32, #tpu.memory_space<smem>>
    %mul3A_1724 = arith.mulf %mul3A_1613, %get3A_1723 : f32
    %add3A_1725 = arith.addf %add3A_1720, %mul3A_1724 : f32
    %get3A_1726 = arith.constant 14 : i32
    %get3A_1727 = arith.index_cast %get3A_1726 : i32 to index
    %get3A_1728 = memref.load %arg7[%get3A_1727] : memref<15xf32, #tpu.memory_space<smem>>
    %get3A_1729 = arith.constant 54 : i32
    %get3A_1730 = arith.index_cast %get3A_1729 : i32 to index
    %get3A_1731 = memref.load %arg6[%get3A_1730] : memref<75xf32, #tpu.memory_space<smem>>
    %mul3A_1732 = arith.mulf %mul3A_969, %get3A_1731 : f32
    %add3A_1733 = arith.addf %get3A_1728, %mul3A_1732 : f32
    %get3A_1734 = arith.constant 59 : i32
    %get3A_1735 = arith.index_cast %get3A_1734 : i32 to index
    %get3A_1736 = memref.load %arg6[%get3A_1735] : memref<75xf32, #tpu.memory_space<smem>>
    %mul3A_1737 = arith.mulf %mul3A_1130, %get3A_1736 : f32
    %add3A_1738 = arith.addf %add3A_1733, %mul3A_1737 : f32
    %get3A_1739 = arith.constant 64 : i32
    %get3A_1740 = arith.index_cast %get3A_1739 : i32 to index
    %get3A_1741 = memref.load %arg6[%get3A_1740] : memref<75xf32, #tpu.memory_space<smem>>
    %mul3A_1742 = arith.mulf %mul3A_1291, %get3A_1741 : f32
    %add3A_1743 = arith.addf %add3A_1738, %mul3A_1742 : f32
    %get3A_1744 = arith.constant 69 : i32
    %get3A_1745 = arith.index_cast %get3A_1744 : i32 to index
    %get3A_1746 = memref.load %arg6[%get3A_1745] : memref<75xf32, #tpu.memory_space<smem>>
    %mul3A_1747 = arith.mulf %mul3A_1452, %get3A_1746 : f32
    %add3A_1748 = arith.addf %add3A_1743, %mul3A_1747 : f32
    %get3A_1749 = arith.constant 74 : i32
    %get3A_1750 = arith.index_cast %get3A_1749 : i32 to index
    %get3A_1751 = memref.load %arg6[%get3A_1750] : memref<75xf32, #tpu.memory_space<smem>>
    %mul3A_1752 = arith.mulf %mul3A_1613, %get3A_1751 : f32
    %add3A_1753 = arith.addf %add3A_1748, %mul3A_1752 : f32
    %swap3A = arith.constant 0 : i32
    %swap3A_1754 = arith.index_cast %swap3A : i32 to index
    %swap3A_1755 = memref.load %arg8[%swap3A_1754] : memref<8xf32, #tpu.memory_space<smem>>
    memref.store %add3A_1641, %arg8[%swap3A_1754] : memref<8xf32, #tpu.memory_space<smem>>
    %swap3A_1756 = arith.constant 1 : i32
    %swap3A_1757 = arith.index_cast %swap3A_1756 : i32 to index
    %swap3A_1758 = memref.load %arg8[%swap3A_1757] : memref<8xf32, #tpu.memory_space<smem>>
    memref.store %add3A_1669, %arg8[%swap3A_1757] : memref<8xf32, #tpu.memory_space<smem>>
    %swap3A_1759 = arith.constant 2 : i32
    %swap3A_1760 = arith.index_cast %swap3A_1759 : i32 to index
    %swap3A_1761 = memref.load %arg8[%swap3A_1760] : memref<8xf32, #tpu.memory_space<smem>>
    memref.store %add3A_1697, %arg8[%swap3A_1760] : memref<8xf32, #tpu.memory_space<smem>>
    %swap3A_1762 = arith.constant 3 : i32
    %swap3A_1763 = arith.index_cast %swap3A_1762 : i32 to index
    %swap3A_1764 = memref.load %arg8[%swap3A_1763] : memref<8xf32, #tpu.memory_space<smem>>
    memref.store %add3A_1725, %arg8[%swap3A_1763] : memref<8xf32, #tpu.memory_space<smem>>
    %swap3A_1765 = arith.constant 4 : i32
    %swap3A_1766 = arith.index_cast %swap3A_1765 : i32 to index
    %swap3A_1767 = memref.load %arg8[%swap3A_1766] : memref<8xf32, #tpu.memory_space<smem>>
    memref.store %add3A_1753, %arg8[%swap3A_1766] : memref<8xf32, #tpu.memory_space<smem>>
    %swap3A_1768 = arith.constant 0.000000e+00 : f32
    %swap3A_1769 = arith.constant 5 : i32
    %swap3A_1770 = arith.index_cast %swap3A_1769 : i32 to index
    %swap3A_1771 = memref.load %arg8[%swap3A_1770] : memref<8xf32, #tpu.memory_space<smem>>
    memref.store %swap3A_1768, %arg8[%swap3A_1770] : memref<8xf32, #tpu.memory_space<smem>>
    %swap3A_1772 = arith.constant 0.000000e+00 : f32
    %swap3A_1773 = arith.constant 6 : i32
    %swap3A_1774 = arith.index_cast %swap3A_1773 : i32 to index
    %swap3A_1775 = memref.load %arg8[%swap3A_1774] : memref<8xf32, #tpu.memory_space<smem>>
    memref.store %swap3A_1772, %arg8[%swap3A_1774] : memref<8xf32, #tpu.memory_space<smem>>
    %swap3A_1776 = arith.constant 0.000000e+00 : f32
    %swap3A_1777 = arith.constant 7 : i32
    %swap3A_1778 = arith.index_cast %swap3A_1777 : i32 to index
    %swap3A_1779 = memref.load %arg8[%swap3A_1778] : memref<8xf32, #tpu.memory_space<smem>>
    memref.store %swap3A_1776, %arg8[%swap3A_1778] : memref<8xf32, #tpu.memory_space<smem>>
    "tpu.region"() ({
      %run_scoped3A = tpu.sem_alloc : memref<!tpu.dma_semaphore, #tpu.memory_space<semaphore_mem>>
      tpu.enqueue_dma source(%arg8 : memref<8xf32, #tpu.memory_space<smem>>) target(%arg4 : memref<8xf32, #tpu.memory_space<hbm>>) target_semaphore(%run_scoped3A : memref<!tpu.dma_semaphore, #tpu.memory_space<semaphore_mem>>)
      tpu.wait_dma2 semaphore(%run_scoped3A : memref<!tpu.dma_semaphore, #tpu.memory_space<semaphore_mem>>) src(%arg8 : memref<8xf32, #tpu.memory_space<smem>>) dst(%arg4 : memref<8xf32, #tpu.memory_space<hbm>>)
      tpu.yield
    }) : () -> ()
    return
  }
}

</mosaic_0001>

<sc_bundles>
// kernel: kernel.3.cloned.1.call-start
scs
__scs_entry_jumppad:
0x0: {  	(pc) =	sbr.rel $0x88, $3  }
0x1: {  	(tag) =	ssettag $0x0;
	lr =	simm.s32 $0x1  }
0x2: {  	[smem:$0x3F9E] =	sst lr;
	_ =	strace $0xD0000000  }
0x3: {  	_ = 	snop  }
0x4: {  	_ = 	snop  }
0x5: {  	_ = 	snop  }
0x6: {  	_ = 	snop  }
0x7: {  	_ = 	snop  }
__scs_overlays_trampoline_lowered:
0x8: {  	[smem:$0x3FAD] =	sst s0  }
0x9: {  	[smem:$0x3FAE] =	sst s1  }
0xa: {  	[smem:$0x3FAF] =	sst s2  }
0xb: {  	[smem:$0x3FB0] =	sst s3  }
0xc: {  	[smem:$0x3FB1] =	sst s4  }
0xd: {  	[smem:$0x3FB2] =	sst s5  }
0xe: {  	[smem:$0x3FB3] =	sst s6  }
0xf: {  	[smem:$0x3FB4] =	sst s7  }
0x10: {  	[smem:$0x3FB5] =	sst s8  }
0x11: {  	[smem:$0x3FB6] =	sst s9;
	s0 =	simm.s32 @!p0 $0x0  }
0x12: {  	s1 =	sld [smem:$0x3F9C];
	s0 =	simm.s32 @p0 $0x1  }
0x13: {  	[smem:$0x3FB7] =	sst s0;
	s0 =	simm.s32 @!p1 $0x0  }
0x14: {  	s2 =	sld [smem:$0x3F9B];
	s0 =	simm.s32 @p1 $0x1  }
0x15: {  	[smem:$0x3FB8] =	sst s0;
	s0 =	simm.s32 @!p2 $0x0  }
0x16: {  	s3 =	sld [smem:$0x3FDB];
	s0 =	simm.s32 @p2 $0x1  }
0x17: {  	s4 =	simm.s32 $0x1BF5;
	[smem:$0x3FBA] =	sst s0  }
0x18: {  	s0 =	sld [smem:$0x3F9D];
	_ =	swait.ge [sflag:s4], $0x0  }
0x19: {  	s7 =	sld [smem:$0x3F9E]  }
0x1a: {  	s8 =	sadd.s32 $0xFFFFE003, lr  }
0x1b: {  	s9 =	sadd.s32 $0xFFFFFEF7, lr;
	s5 =	simm.s32 $0xFFFFFFFF;
	p2 =	slt.u32 s8, $0xFFFFF086  }
0x1c: {  	p1 =	slt.u32 s9, $0xF7A;
	s5 =	simm.s32 @!p2 $0x0  }
0x1d: {  	s5 =	simm.s32 @p1 $0x1;
	p0 =	seq.s32 s7, s2  }
0x1e: {  	s7 =	smul.u32 @!p0 $0xF7A, s2;
	p2 =	seq.s32 @!p0 s5, $0x0  }
0x1f: {  	s9 =	smul.u32 $0xF7A, s1;
	s8 =	simm.s32 @!p0 $0x1BF5;
	p2 =	por !p2, p0  }
0x20: {  	[sflag:s8] =	ssyncset.s32 @!p0 $0xFFFFF086;
	s6 =	sadd.s32 @!p0 s3, s7;
	s7 =	simm.s32 @!p0 $0x108  }
0x21: {  	s3 =	sadd.s32 s3, s9;
	s6 =	sadd.s32 @!p0 $0x88, s6;
	s7 =	simm.s32 @p2 $0x1082  }
0x22: {  	[simem:s7], [sflag:s8] =	dma.local @!p0 [hbm:s6], $0xF7A  }
0x23: {  	s9 =	sor.u32 $0xD0000000, s2;
	s6 =	simm.s32 $0x108;
	_ =	swait.ge @!p0 [sflag:s8], $0x0  }
0x24: {  	s3 =	sadd.s32 $0x88, s3;
	s6 =	simm.s32 @!p1 $0x1082;
	[sflag:s4] =	ssyncset.s32 $0xFFFFF086  }
0x25: {  	[simem:s6], [sflag:s4] =	dma.local [hbm:s3], $0xF7A  }
0x26: {  	[smem:$0x3F9E] =	sst s1;
	(tag) =	ssettag s2;
	_ =	strace s9  }
0x27: {  	s1 =	sld [smem:$0x3FAE]  }
0x28: {  	s2 =	sld [smem:$0x3FAF]  }
0x29: {  	s4 =	sld [smem:$0x3FB1]  }
0x2a: {  	p0 =	seq.s32 s5, $0x0;
	s5 =	sld [smem:$0x3FB2]  }
0x2b: {  	s6 =	sld [smem:$0x3FB3]  }
0x2c: {  	s7 =	sld [smem:$0x3FB4]  }
0x2d: {  	s3 =	simm.s32 $0x108;
	s8 =	sld [smem:$0x3FB5]  }
0x2e: {  	s3 =	simm.s32 @!p0 $0x1082;
	s9 =	sld [smem:$0x3FB6]  }
0x2f: {  	lr =	sadd.s32 s0, s3;
	s0 =	sld [smem:$0x3FAD]  }
0x30: {  	s3 =	sld [smem:$0x3FB0]  }
0x31: {  	[smem:$0x3FB9] =	sst s10  }
0x32: {  	s10 =	sld [smem:$0x3FB7];
	_ =	sdelay $0x3  }
0x33: {  	p0 =	seq.s32 s10, $0x1;
	s10 =	sld [smem:$0x3FB9];
	_ =	sdelay $0x3  }
0x34: {  	[smem:$0x3FB9] =	sst s10  }
0x35: {  	s10 =	sld [smem:$0x3FB8];
	_ =	sdelay $0x3  }
0x36: {  	p1 =	seq.s32 s10, $0x1;
	s10 =	sld [smem:$0x3FB9];
	_ =	sdelay $0x3  }
0x37: {  	[smem:$0x3FB9] =	sst s10  }
0x38: {  	s10 =	sld [smem:$0x3FBA]  }
0x39: {  	_ = 	snop;
	(pc) =	sbr.ind lr, $3  }
0x3a: {  	_ = 	snop  }
0x3b: {  	_ = 	snop  }
0x3c: {  	p2 =	seq.s32 s10, $0x1;
	s10 =	sld [smem:$0x3FB9]  }
0x3d: {  	_ =	shalt  }
0x3e: {  	_ =	shalt  }
0x3f: {  	_ =	shalt  }
0x40: {  	_ =	shalt  }
0x41: {  	_ =	shalt  }
0x42: {  	_ =	shalt  }
0x43: {  	_ =	shalt  }
0x44: {  	_ =	shalt  }
0x45: {  	_ =	shalt  }
0x46: {  	_ =	shalt  }
0x47: {  	_ =	shalt  }
0x48: {  	_ =	shalt  }
0x49: {  	_ =	shalt  }
0x4a: {  	_ =	shalt  }
0x4b: {  	_ =	shalt  }
0x4c: {  	_ =	shalt  }
0x4d: {  	_ =	shalt  }
0x4e: {  	_ =	shalt  }
0x4f: {  	_ =	shalt  }
0x50: {  	_ =	shalt  }
0x51: {  	_ =	shalt  }
0x52: {  	_ =	shalt  }
0x53: {  	_ =	shalt  }
0x54: {  	_ =	shalt  }
0x55: {  	_ =	shalt  }
0x56: {  	_ =	shalt  }
0x57: {  	_ =	shalt  }
0x58: {  	_ =	shalt  }
0x59: {  	_ =	shalt  }
0x5a: {  	_ =	shalt  }
0x5b: {  	_ =	shalt  }
0x5c: {  	_ =	shalt  }
0x5d: {  	_ =	shalt  }
0x5e: {  	_ =	shalt  }
0x5f: {  	_ =	shalt  }
0x60: {  	_ =	shalt  }
0x61: {  	_ =	shalt  }
0x62: {  	_ =	shalt  }
0x63: {  	_ =	shalt  }
0x64: {  	_ =	shalt  }
0x65: {  	_ =	shalt  }
0x66: {  	_ =	shalt  }
0x67: {  	_ =	shalt  }
0x68: {  	_ =	shalt  }
0x69: {  	_ =	shalt  }
0x6a: {  	_ =	shalt  }
0x6b: {  	_ =	shalt  }
0x6c: {  	_ =	shalt  }
0x6d: {  	_ =	shalt  }
0x6e: {  	_ =	shalt  }
0x6f: {  	_ =	shalt  }
0x70: {  	_ =	shalt  }
0x71: {  	_ =	shalt  }
0x72: {  	_ =	shalt  }
0x73: {  	_ =	shalt  }
0x74: {  	_ =	shalt  }
0x75: {  	_ =	shalt  }
0x76: {  	_ =	shalt  }
0x77: {  	_ =	shalt  }
0x78: {  	_ =	shalt  }
0x79: {  	_ =	shalt  }
0x7a: {  	_ =	shalt  }
0x7b: {  	_ =	shalt  }
0x7c: {  	_ =	shalt  }
0x7d: {  	_ =	shalt  }
0x7e: {  	_ =	shalt  }
0x7f: {  	_ =	shalt  }
0x80: {  	_ =	shalt  }
0x81: {  	_ =	shalt  }
0x82: {  	_ =	shalt  }
0x83: {  	_ =	shalt  }
0x84: {  	_ =	shalt  }
0x85: {  	_ =	shalt  }
0x86: {  	_ =	shalt  }
0x87: {  	_ =	shalt  }
.Lfunc_end0:
.L_simem_size_0:
called_computation_lowered:
.L_overlay_start_0:
0x88: {  	s0 =	sld [smem:$0x3FD9]  }
0x89: {  	s1 =	sld [smem:$0x3FFE];
	_ =	sdelay $0x3  }
0x8a: {  	s0 =	sadd.s32 s1, s0  }
0x8b: {  	[smem:$0x3FC5] =	sst s0  }
0x8c: {  	_ = 	snop  }
0x8d: {  	s30 =	sld [smem:$0x3FC9]  }
0x8e: {  	s2 =	sld [smem:$0x3FC8]  }
0x8f: {  	s3 =	sld [smem:$0x3FC7]  }
0x90: {  	s0 =	sld [smem:$0x3FD0];
	(tm) =	ssettm $0x1  }
0x91: {  	s4 =	sld [smem:$0x3FFB];
	_ =	sdelay $0x3  }
0x92: {  	_ =	strace s4  }
0x93: {  	s4 =	sld [smem:$0x3FFC];
	_ =	sdelay $0x3  }
0x94: {  	_ =	strace s4  }
0x95: {  	s4 =	sld [smem:$0x3FFD];
	_ =	sdelay $0x3  }
0x96: {  	_ =	strace s4  }
0x97: {  	s31 =	simm.s32 $0x1B8B;
	_ =	strace $0x8FFFFFFF  }
0x98: {  	_ =	swait.ge [sflag:s31], $0x1  }
0x99: {  	[sflag:s31] =	ssyncset.done $0x0  }
0x9a: {  	s5 =	simm.s32 $0x1B8E;
	[sflag:s31] =	ssyncadd.s32 $0xFFFFFFFF  }
0x9b: {  	s6 =	simm.s32 $0x9;
	s7 =	simm.s32 $0x90;
	[smem:$0x3FD2] =	sst s5  }
0x9c: {  	s8 =	simm.s32 $0x110;
	s5 =	simm.s32 $0x10;
	_ =	strace $0x80000046  }
0x9d: {  	[smem:s5], [sflag:s6] =	dma.local [hbm:s30], $0x10  }
0x9e: {  	[smem:s7], [sflag:s6] =	dma.local [hbm:s2], $0x10  }
0x9f: {  	[smem:s8], [sflag:s6] =	dma.local [hbm:s3], $0x10  }
0xa0: {  	_ =	swait.ge [sflag:s6], $0x10  }
0xa1: {  	[sflag:s6] =	ssyncset.done $0x0  }
0xa2: {  	[sflag:s6] =	ssyncadd.s32 $0xFFFFFFF0;
	_ =	sdelay $0x2  }
0xa3: {  	_ =	swait.ge [sflag:s6], $0x10  }
0xa4: {  	[sflag:s6] =	ssyncset.done $0x0  }
0xa5: {  	[sflag:s6] =	ssyncadd.s32 $0xFFFFFFF0;
	_ =	sdelay $0x2  }
0xa6: {  	_ =	swait.ge [sflag:s6], $0x10  }
0xa7: {  	[sflag:s6] =	ssyncset.done $0x0  }
0xa8: {  	[sflag:s6] =	ssyncadd.s32 $0xFFFFFFF0  }
0xa9: {  	s8 =	sld [smem:$0x10]  }
0xaa: {  	s7 =	sld [smem:$0x11]  }
0xab: {  	s6 =	sld [smem:$0x12]  }
0xac: {  	s9 =	sld [smem:$0x90]  }
0xad: {  	s10 =	sld [smem:$0x110]  }
0xae: {  	s11 =	sld [smem:$0x95]  }
0xaf: {  	s5 =	sld [smem:$0x13]  }
0xb0: {  	s4 =	sld [smem:$0x14]  }
0xb1: {  	s1 =	smul.f32 s9, s8;
	s9 =	sld [smem:$0x9A]  }
0xb2: {  	s13 =	sld [smem:$0x9F]  }
0xb3: {  	s12 =	smul.f32 s11, s7;
	s1 =	sadd.f32 s1, s10  }
0xb4: {  	s15 =	sld [smem:$0xA4]  }
0xb5: {  	s1 =	sadd.f32 s12, s1;
	s14 =	smul.f32 s9, s6  }
0xb6: {  	_ = 	snop  }
0xb7: {  	s16 =	smul.f32 s13, s5;
	s1 =	sadd.f32 s14, s1  }
0xb8: {  	_ = 	snop  }
0xb9: {  	s17 =	smul.f32 s15, s4;
	s1 =	sadd.f32 s16, s1  }
0xba: {  	_ = 	snop  }
0xbb: {  	s2 =	sadd.f32 s17, s1;
	_ =	sdelay $0x1  }
0xbc: {  	p0 =	sge.f32 s2, $0.0e+00  }
0xbd: {  	s1 =	simm.f32 $1.000000000e+00  }
0xbe: {  	s1 =	simm.s32 @!p0 $0xBF800000  }
0xbf: {  	s18 =	sadd.f32 s1, s1;
	_ =	sdelay $0x1  }
0xc0: {  	s2 =	smul.f32 s18, s2;
	_ =	sdelay $0x1  }
0xc1: {  	p0 =	sgt.f32 s2, $1.700000000e+01;
	_ =	sdelay $0x1  }
0xc2: {  	s2 =	simm.s32 @p0 $0x41880000  }
0xc3: {  	s2 =	smul.f32 $1.442695020e+00, s2;
	_ =	sdelay $0x1  }
0xc4: {  	s19 =	sadd.f32 $5.000000000e-01, s2;
	_ =	sdelay $0x1  }
0xc5: {  	s3 =	scvt.f32.s32 s19;
	_ =	sdelay $0x1  }
0xc6: {  	s20 =	scvt.s32.f32 s3;
	_ =	sdelay $0x1  }
0xc7: {  	s2 =	ssub.f32 s2, s20;
	_ =	sdelay $0x1  }
0xc8: {  	s2 =	smul.f32 $6.931471820e-01, s2;
	_ =	sdelay $0x1  }
0xc9: {  	s21 =	smul.f32 $8.333333770e-03, s2;
	_ =	sdelay $0x1  }
0xca: {  	s9 =	sadd.f32 $4.166666790e-02, s21;
	_ =	sdelay $0x1  }
0xcb: {  	s9 =	smul.f32 s9, s2  }
0xcc: {  	s25 =	sld [smem:$0x91]  }
0xcd: {  	s9 =	sadd.f32 $1.666666720e-01, s9  }
0xce: {  	s29 =	sld [smem:$0xA0]  }
0xcf: {  	s26 =	sld [smem:$0x9B];
	s9 =	smul.f32 s9, s2  }
0xd0: {  	s30 =	sld [smem:$0xA5]  }
0xd1: {  	s11 =	simm.f32 $5.000000000e-01;
	s9 =	sadd.f32 $5.000000000e-01, s9  }
0xd2: {  	s13 =	sld [smem:$0x111];
	s31 =	smul.f32 s29, s5;
	s12 =	simm.f32 $1.000000000e+00  }
0xd3: {  	s10 =	sand.u32 $0x1, s3;
	s22 =	sand.u32 $0x2, s3;
	s9 =	smul.f32 s9, s2  }
0xd4: {  	s14 =	sld [smem:$0x96];
	p0 =	seq.s32 s10, $0x1;
	p1 =	seq.s32 s22, $0x0  }
0xd5: {  	s11 =	simm.s32 @!p0 $0x3F800000;
	s12 =	simm.s32 @!p1 $0x3E800000;
	s9 =	sadd.f32 $1.000000000e+00, s9  }
0xd6: {  	s16 =	simm.f32 $1.000000000e+00;
	s24 =	sand.u32 $0x4, s3;
	s23 =	smul.f32 s12, s11  }
0xd7: {  	s10 =	simm.f32 $2.000000000e+00;
	s2 =	smul.f32 s9, s2;
	s9 =	simm.f32 $1.000000000e+00  }
0xd8: {  	s10 =	simm.s32 @!p0 $0x3F800000;
	s12 =	smul.f32 s25, s8;
	s9 =	simm.s32 @!p1 $0x40800000  }
0xd9: {  	p0 =	seq.s32 s24, $0x0;
	s11 =	simm.f32 $1.000000000e+00;
	s9 =	smul.f32 s9, s10  }
0xda: {  	s28 =	smul.f32 s14, s7;
	s14 =	simm.f32 $1.000000000e+00;
	s11 =	simm.s32 @!p0 $0x41800000  }
0xdb: {  	s12 =	sadd.f32 s12, s13;
	s9 =	smul.f32 s9, s11;
	s11 =	simm.f32 $1.000000000e+00  }
0xdc: {  	s15 =	sand.u32 $0x8, s3;
	s13 =	smul.f32 s30, s4;
	s11 =	simm.s32 @!p0 $0x3D800000  }
0xdd: {  	s3 =	sand.u32 $0x10, s3;
	s12 =	sadd.f32 s28, s12;
	s10 =	smul.f32 s23, s11  }
0xde: {  	s2 =	sadd.f32 $1.000000000e+00, s2;
	p0 =	seq.s32 s15, $0x0;
	s11 =	smul.f32 s26, s6  }
0xdf: {  	s14 =	simm.s32 @!p0 $0x43800000;
	s16 =	simm.s32 @!p0 $0x3B800000;
	p0 =	seq.s32 s3, $0x0  }
0xe0: {  	s3 =	simm.f32 $1.000000000e+00;
	s9 =	smul.f32 s9, s14;
	s11 =	sadd.f32 s11, s12  }
0xe1: {  	s3 =	simm.s32 @!p0 $0x47800000;
	s14 =	simm.f32 $1.000000000e+00;
	s10 =	smul.f32 s10, s16  }
0xe2: {  	s14 =	simm.s32 @!p0 $0x37800000;
	s3 =	smul.f32 s9, s3;
	s11 =	sadd.f32 s31, s11  }
0xe3: {  	s14 =	smul.f32 s10, s14  }
0xe4: {  	s2 =	smul.f32 s2, s3;
	s11 =	sadd.f32 s13, s11  }
0xe5: {  	s15 =	smul.f32 $5.000000000e-01, s14  }
0xe6: {  	s10 =	sadd.f32 $1.000000000e+00, s2;
	p0 =	sge.f32 s11, $0.0e+00  }
0xe7: {  	s2 =	simm.f32 $1.000000000e+00  }
0xe8: {  	s9 =	smul.f32 s10, s15;
	s2 =	simm.s32 @!p0 $0xBF800000  }
0xe9: {  	s16 =	sadd.f32 s2, s2  }
0xea: {  	s9 =	ssub.f32 $2.000000000e+00, s9  }
0xeb: {  	s18 =	sld [smem:$0x92];
	s11 =	smul.f32 s16, s11  }
0xec: {  	s22 =	sld [smem:$0x97];
	s3 =	smul.f32 s9, s15  }
0xed: {  	s20 =	sld [smem:$0x112]  }
0xee: {  	p0 =	sgt.f32 s11, $1.700000000e+01;
	s9 =	smul.f32 s3, s10  }
0xef: {  	s25 =	sld [smem:$0xA1]  }
0xf0: {  	s12 =	smul.f32 s18, s8;
	s11 =	simm.s32 @p0 $0x41880000;
	s9 =	ssub.f32 $2.000000000e+00, s9  }
0xf1: {  	s23 =	sld [smem:$0x9C];
	s11 =	smul.f32 $1.442695020e+00, s11  }
0xf2: {  	s12 =	sadd.f32 s12, s20;
	s3 =	smul.f32 s9, s3  }
0xf3: {  	s24 =	smul.f32 s22, s7;
	s17 =	sadd.f32 $5.000000000e-01, s11  }
0xf4: {  	s29 =	sld [smem:$0xA6];
	s19 =	smul.f32 s3, s10  }
0xf5: {  	s26 =	sadd.f32 s24, s12;
	s9 =	scvt.f32.s32 s17  }
0xf6: {  	s28 =	smul.f32 s23, s6;
	s13 =	ssub.f32 $2.000000000e+00, s19  }
0xf7: {  	s30 =	smul.f32 s25, s5;
	s21 =	scvt.s32.f32 s9  }
0xf8: {  	s13 =	smul.f32 s13, s3;
	s3 =	sadd.f32 s28, s26  }
0xf9: {  	s11 =	ssub.f32 s11, s21  }
0xfa: {  	s14 =	smul.f32 s29, s4;
	s3 =	sadd.f32 s30, s3  }
0xfb: {  	s11 =	smul.f32 $6.931471820e-01, s11  }
0xfc: {  	s12 =	sadd.f32 s14, s3  }
0xfd: {  	s31 =	smul.f32 $8.333333770e-03, s11  }
0xfe: {  	p0 =	sge.f32 s12, $0.0e+00  }
0xff: {  	s3 =	simm.f32 $1.000000000e+00;
	s15 =	sadd.f32 $4.166666790e-02, s31  }
0x100: {  	s16 =	smul.f32 s13, s10;
	s3 =	simm.s32 @!p0 $0xBF800000  }
0x101: {  	s17 =	smul.f32 s15, s11;
	s21 =	sadd.f32 s3, s3  }
0x102: {  	s18 =	ssub.f32 $2.000000000e+00, s16  }
0x103: {  	s19 =	sadd.f32 $1.666666720e-01, s17;
	s15 =	smul.f32 s21, s12  }
0x104: {  	s13 =	smul.f32 s18, s13  }
0x105: {  	s20 =	smul.f32 s19, s11;
	p0 =	sgt.f32 s15, $1.700000000e+01  }
0x106: {  	s25 =	sand.u32 $0x1, s9;
	s29 =	sand.u32 $0x4, s9;
	s26 =	sand.u32 $0x2, s9  }
0x107: {  	s22 =	smul.f32 s13, s10;
	s14 =	sadd.f32 $5.000000000e-01, s20;
	s15 =	simm.s32 @p0 $0x41880000  }
0x108: {  	p1 =	seq.s32 s26, $0x0;
	s16 =	simm.f32 $1.000000000e+00;
	s15 =	smul.f32 $1.442695020e+00, s15  }
0x109: {  	s16 =	simm.s32 @!p1 $0x3E800000;
	s23 =	ssub.f32 $2.000000000e+00, s22;
	s14 =	smul.f32 s14, s11  }
0x10a: {  	s18 =	simm.f32 $5.000000000e-01;
	s17 =	simm.f32 $1.000000000e+00;
	s28 =	sadd.f32 $5.000000000e-01, s15  }
0x10b: {  	s12 =	smul.f32 s23, s13;
	p0 =	seq.s32 s25, $0x1;
	s24 =	sadd.f32 $1.000000000e+00, s14  }
0x10c: {  	s17 =	simm.s32 @!p1 $0x40800000;
	s18 =	simm.s32 @!p0 $0x3F800000;
	s14 =	simm.f32 $2.000000000e+00  }
0x10d: {  	s14 =	simm.s32 @!p0 $0x3F800000;
	s13 =	smul.f32 s24, s11;
	s11 =	scvt.f32.s32 s28  }
0x10e: {  	p0 =	seq.s32 s29, $0x0;
	s14 =	smul.f32 s17, s14;
	s17 =	simm.f32 $1.000000000e+00  }
0x10f: {  	s16 =	smul.f32 s16, s18;
	s17 =	simm.s32 @!p0 $0x41800000;
	s19 =	scvt.s32.f32 s11  }
0x110: {  	s30 =	sand.u32 $0x8, s9;
	s14 =	smul.f32 s14, s17;
	s17 =	simm.f32 $1.000000000e+00  }
0x111: {  	s10 =	smul.f32 s12, s10;
	s17 =	simm.s32 @!p0 $0x3D800000;
	s15 =	ssub.f32 s15, s19  }
0x112: {  	p0 =	seq.s32 s30, $0x0;
	s16 =	smul.f32 s16, s17;
	s17 =	simm.f32 $1.000000000e+00  }
0x113: {  	s17 =	simm.s32 @!p0 $0x43800000;
	s15 =	smul.f32 $6.931471820e-01, s15  }
0x114: {  	s14 =	smul.f32 s14, s17  }
0x115: {  	s9 =	sand.u32 $0x10, s9;
	s17 =	simm.f32 $1.000000000e+00;
	s31 =	smul.f32 $8.333333770e-03, s15  }
0x116: {  	s17 =	simm.s32 @!p0 $0x3B800000;
	p0 =	seq.s32 s9, $0x0;
	s9 =	simm.f32 $1.000000000e+00  }
0x117: {  	s16 =	smul.f32 s16, s17;
	s9 =	simm.s32 @!p0 $0x47800000;
	s18 =	sadd.f32 $4.166666790e-02, s31  }
0x118: {  	s17 =	simm.f32 $1.000000000e+00;
	s9 =	smul.f32 s14, s9  }
0x119: {  	s13 =	sadd.f32 $1.000000000e+00, s13;
	s17 =	simm.s32 @!p0 $0x37800000;
	s18 =	smul.f32 s18, s15  }
0x11a: {  	s26 =	sld [smem:$0x98];
	s17 =	smul.f32 s16, s17  }
0x11b: {  	s9 =	smul.f32 s13, s9;
	s19 =	sadd.f32 $1.666666720e-01, s18  }
0x11c: {  	s23 =	sld [smem:$0x93];
	s14 =	smul.f32 $5.000000000e-01, s17  }
0x11d: {  	s9 =	sadd.f32 $1.000000000e+00, s9;
	s20 =	smul.f32 s19, s15  }
0x11e: {  	s10 =	ssub.f32 $2.000000000e+00, s10  }
0x11f: {  	s21 =	smul.f32 s9, s14;
	s13 =	sadd.f32 $5.000000000e-01, s20  }
0x120: {  	s10 =	smul.f32 s10, s12;
	s29 =	sld [smem:$0x9D]  }
0x121: {  	s12 =	simm.f32 $2.000000000e+00;
	s16 =	ssub.f32 $2.000000000e+00, s21;
	s13 =	smul.f32 s13, s15  }
0x122: {  	s24 =	sld [smem:$0x113];
	s25 =	sand.u32 $0x1, s11;
	s30 =	smul.f32 s26, s7  }
0x123: {  	s28 =	sand.u32 $0x2, s11;
	s22 =	sadd.f32 $1.000000000e+00, s13;
	s13 =	smul.f32 s16, s14  }
0x124: {  	p1 =	seq.s32 s28, $0x0;
	s28 =	sld [smem:$0x94];
	s16 =	smul.f32 s23, s8  }
0x125: {  	p0 =	seq.s32 s25, $0x1;
	s25 =	sand.u32 $0x10, s11;
	s21 =	sld [smem:$0xA2]  }
0x126: {  	s12 =	simm.s32 @!p0 $0x3F800000;
	s31 =	sand.u32 $0x4, s11;
	s16 =	sadd.f32 s16, s24  }
0x127: {  	s17 =	simm.f32 $1.000000000e+00;
	s15 =	smul.f32 s22, s15;
	s22 =	sld [smem:$0xA7]  }
0x128: {  	s18 =	simm.f32 $5.000000000e-01;
	s19 =	smul.f32 s29, s6;
	s16 =	sadd.f32 s30, s16  }
0x129: {  	s18 =	simm.s32 @!p0 $0x3F800000;
	p0 =	seq.s32 s31, $0x0;
	s20 =	simm.f32 $1.000000000e+00  }
0x12a: {  	s20 =	simm.s32 @!p1 $0x40800000;
	s21 =	smul.f32 s21, s5;
	s16 =	sadd.f32 s19, s16  }
0x12b: {  	s31 =	sld [smem:$0x9E];
	s12 =	smul.f32 s20, s12;
	s20 =	simm.f32 $1.000000000e+00  }
0x12c: {  	s20 =	simm.s32 @!p1 $0x3E800000;
	s23 =	smul.f32 s22, s4;
	s16 =	sadd.f32 s21, s16  }
0x12d: {  	s17 =	simm.s32 @!p0 $0x41800000;
	s29 =	sld [smem:$0x114];
	s18 =	smul.f32 s20, s18  }
0x12e: {  	s20 =	simm.f32 $1.000000000e+00;
	s12 =	smul.f32 s12, s17;
	s16 =	sadd.f32 s23, s16  }
0x12f: {  	s17 =	simm.f32 $1.000000000e+00;
	s8 =	smul.f32 s28, s8;
	s20 =	simm.s32 @!p0 $0x3D800000  }
0x130: {  	s24 =	sand.u32 $0x8, s11;
	s30 =	sld [smem:$0x99];
	p1 =	sge.f32 s16, $0.0e+00  }
0x131: {  	s18 =	smul.f32 s18, s20;
	s11 =	simm.f32 $1.000000000e+00;
	p0 =	seq.s32 s24, $0x0  }
0x132: {  	s8 =	sadd.f32 s8, s29;
	s17 =	simm.s32 @!p0 $0x43800000;
	s11 =	simm.s32 @!p1 $0xBF800000  }
0x133: {  	s12 =	smul.f32 s12, s17;
	s17 =	simm.f32 $1.000000000e+00;
	s26 =	sadd.f32 s11, s11  }
0x134: {  	s20 =	sld [smem:$0xA3];
	s17 =	simm.s32 @!p0 $0x3B800000;
	s7 =	smul.f32 s30, s7  }
0x135: {  	p0 =	seq.s32 s25, $0x0;
	s19 =	simm.f32 $1.000000000e+00;
	s16 =	smul.f32 s26, s16  }
0x136: {  	s6 =	smul.f32 s31, s6;
	s19 =	simm.s32 @!p0 $0x47800000;
	s21 =	simm.f32 $1.000000000e+00  }
0x137: {  	s21 =	simm.s32 @!p0 $0x37800000;
	s7 =	sadd.f32 s7, s8;
	p0 =	sgt.f32 s16, $1.700000000e+01  }
0x138: {  	s22 =	sld [smem:$0xA8];
	s5 =	smul.f32 s20, s5  }
0x139: {  	s17 =	smul.f32 s18, s17;
	s6 =	sadd.f32 s6, s7;
	s16 =	simm.s32 @p0 $0x41880000  }
0x13a: {  	s15 =	sadd.f32 $1.000000000e+00, s15;
	s16 =	smul.f32 $1.442695020e+00, s16  }
0x13b: {  	s12 =	smul.f32 s12, s19;
	s5 =	sadd.f32 s5, s6  }
0x13c: {  	s4 =	smul.f32 s22, s4;
	s23 =	sadd.f32 $5.000000000e-01, s16  }
0x13d: {  	s12 =	smul.f32 s15, s12  }
0x13e: {  	s4 =	sadd.f32 s4, s5;
	s15 =	scvt.f32.s32 s23  }
0x13f: {  	s17 =	smul.f32 s17, s21  }
0x140: {  	p0 =	sge.f32 s4, $0.0e+00;
	s26 =	scvt.s32.f32 s15  }
0x141: {  	s12 =	sadd.f32 $1.000000000e+00, s12;
	s24 =	smul.f32 $5.000000000e-01, s17;
	s5 =	simm.f32 $1.000000000e+00  }
0x142: {  	s14 =	smul.f32 s13, s9;
	s5 =	simm.s32 @!p0 $0xBF800000;
	s29 =	ssub.f32 s16, s26  }
0x143: {  	s28 =	smul.f32 s12, s24;
	s16 =	sadd.f32 s5, s5  }
0x144: {  	s25 =	ssub.f32 $2.000000000e+00, s14;
	s31 =	smul.f32 $6.931471820e-01, s29  }
0x145: {  	s4 =	smul.f32 s16, s4  }
0x146: {  	s6 =	smul.f32 s25, s13;
	s30 =	ssub.f32 $2.000000000e+00, s28  }
0x147: {  	s13 =	smul.f32 $8.333333770e-03, s31;
	p0 =	sgt.f32 s4, $1.700000000e+01  }
0x148: {  	_ = 	snop  }
0x149: {  	s7 =	smul.f32 s30, s24;
	s8 =	sadd.f32 $4.166666790e-02, s13;
	s4 =	simm.s32 @p0 $0x41880000  }
0x14a: {  	s19 =	smul.f32 $1.442695020e+00, s4  }
0x14b: {  	s8 =	smul.f32 s8, s31  }
0x14c: {  	s17 =	smul.f32 s7, s12;
	s22 =	sadd.f32 $5.000000000e-01, s19  }
0x14d: {  	s8 =	sadd.f32 $1.666666720e-01, s8  }
0x14e: {  	s16 =	ssub.f32 $2.000000000e+00, s17;
	s13 =	scvt.f32.s32 s22  }
0x14f: {  	s8 =	smul.f32 s8, s31  }
0x150: {  	s7 =	smul.f32 s16, s7;
	s26 =	scvt.s32.f32 s13  }
0x151: {  	s18 =	smul.f32 s6, s9;
	s23 =	sadd.f32 $5.000000000e-01, s8  }
0x152: {  	s21 =	smul.f32 s7, s12;
	s16 =	ssub.f32 s19, s26  }
0x153: {  	s20 =	ssub.f32 $2.000000000e+00, s18;
	s18 =	simm.f32 $1.000000000e+00;
	s25 =	smul.f32 s23, s31  }
0x154: {  	s28 =	sand.u32 $0x1, s15;
	s29 =	sand.u32 $0x2, s15;
	s16 =	smul.f32 $6.931471820e-01, s16  }
0x155: {  	p1 =	seq.s32 s29, $0x0;
	s4 =	smul.f32 s20, s6;
	s17 =	sadd.f32 $1.000000000e+00, s25  }
0x156: {  	s18 =	simm.s32 @!p1 $0x40800000;
	p0 =	seq.s32 s28, $0x1;
	s30 =	smul.f32 $8.333333770e-03, s16  }
0x157: {  	s24 =	ssub.f32 $2.000000000e+00, s21;
	s14 =	smul.f32 s17, s31;
	s17 =	simm.f32 $2.000000000e+00  }
0x158: {  	s19 =	simm.f32 $5.000000000e-01;
	s17 =	simm.s32 @!p0 $0x3F800000;
	s20 =	sadd.f32 $4.166666790e-02, s30  }
0x159: {  	s19 =	simm.s32 @!p0 $0x3F800000;
	s17 =	smul.f32 s18, s17;
	s18 =	simm.f32 $1.000000000e+00  }
0x15a: {  	s31 =	sand.u32 $0x4, s15;
	s18 =	simm.s32 @!p1 $0x3E800000;
	s20 =	smul.f32 s20, s16  }
0x15b: {  	p0 =	seq.s32 s31, $0x0;
	s18 =	smul.f32 s18, s19;
	s19 =	simm.f32 $1.000000000e+00  }
0x15c: {  	s6 =	smul.f32 s24, s7;
	s19 =	simm.s32 @!p0 $0x41800000;
	s20 =	sadd.f32 $1.666666720e-01, s20  }
0x15d: {  	s17 =	smul.f32 s17, s19;
	s19 =	simm.f32 $1.000000000e+00  }
0x15e: {  	s22 =	sand.u32 $0x8, s15;
	s19 =	simm.s32 @!p0 $0x3D800000;
	s20 =	smul.f32 s20, s16  }
0x15f: {  	p0 =	seq.s32 s22, $0x0;
	s18 =	smul.f32 s18, s19;
	s19 =	simm.f32 $1.000000000e+00  }
0x160: {  	s7 =	smul.f32 s4, s9;
	s19 =	simm.s32 @!p0 $0x43800000  }
0x161: {  	s20 =	sadd.f32 $5.000000000e-01, s20;
	s17 =	smul.f32 s17, s19;
	s19 =	simm.f32 $1.000000000e+00  }
0x162: {  	s8 =	smul.f32 s6, s12;
	s15 =	sand.u32 $0x10, s15;
	s19 =	simm.s32 @!p0 $0x3B800000  }
0x163: {  	p0 =	seq.s32 s15, $0x0;
	s15 =	simm.f32 $1.000000000e+00;
	s23 =	smul.f32 s20, s16  }
0x164: {  	s24 =	sand.u32 $0x1, s13;
	s18 =	smul.f32 s18, s19;
	s15 =	simm.s32 @!p0 $0x47800000  }
0x165: {  	s26 =	sand.u32 $0x4, s13;
	s15 =	smul.f32 s17, s15;
	s17 =	simm.f32 $1.000000000e+00  }
0x166: {  	s25 =	sand.u32 $0x2, s13;
	s19 =	sadd.f32 $1.000000000e+00, s23;
	s17 =	simm.s32 @!p0 $0x37800000  }
0x167: {  	s14 =	sadd.f32 $1.000000000e+00, s14;
	p1 =	seq.s32 s25, $0x0;
	s17 =	smul.f32 s18, s17  }
0x168: {  	s20 =	simm.f32 $1.000000000e+00;
	p0 =	seq.s32 s24, $0x1;
	s16 =	smul.f32 s19, s16  }
0x169: {  	s14 =	smul.f32 s14, s15;
	s15 =	simm.f32 $2.000000000e+00;
	s18 =	simm.f32 $1.000000000e+00  }
0x16a: {  	s19 =	simm.f32 $5.000000000e-01;
	s15 =	simm.s32 @!p0 $0x3F800000;
	s18 =	simm.s32 @!p1 $0x40800000  }
0x16b: {  	s19 =	simm.s32 @!p0 $0x3F800000;
	s15 =	smul.f32 s18, s15;
	s18 =	simm.f32 $1.000000000e+00  }
0x16c: {  	p0 =	seq.s32 s26, $0x0;
	s30 =	smul.f32 $5.000000000e-01, s17;
	s18 =	simm.s32 @!p1 $0x3E800000  }
0x16d: {  	s20 =	simm.s32 @!p0 $0x41800000;
	s18 =	smul.f32 s18, s19  }
0x16e: {  	s28 =	sand.u32 $0x8, s13;
	s15 =	smul.f32 s15, s20;
	s19 =	simm.f32 $1.000000000e+00  }
0x16f: {  	s20 =	simm.f32 $1.000000000e+00;
	s19 =	simm.s32 @!p0 $0x3D800000;
	p0 =	seq.s32 s28, $0x0  }
0x170: {  	s18 =	smul.f32 s18, s19;
	s20 =	simm.s32 @!p0 $0x43800000  }
0x171: {  	s13 =	sand.u32 $0x10, s13;
	s19 =	simm.f32 $1.000000000e+00;
	s15 =	smul.f32 s15, s20  }
0x172: {  	s19 =	simm.s32 @!p0 $0x3B800000;
	p0 =	seq.s32 s13, $0x0;
	s13 =	simm.f32 $1.000000000e+00  }
0x173: {  	s18 =	smul.f32 s18, s19;
	s13 =	simm.s32 @!p0 $0x47800000;
	s19 =	simm.f32 $1.000000000e+00  }
0x174: {  	s16 =	sadd.f32 $1.000000000e+00, s16;
	s13 =	smul.f32 s15, s13;
	s19 =	simm.s32 @!p0 $0x37800000  }
0x175: {  	s14 =	sadd.f32 $1.000000000e+00, s14;
	s29 =	smul.f32 s18, s19  }
0x176: {  	s13 =	smul.f32 s16, s13  }
0x177: {  	s7 =	ssub.f32 $2.000000000e+00, s7;
	s17 =	smul.f32 s14, s30  }
0x178: {  	s15 =	smul.f32 $5.000000000e-01, s29;
	s13 =	sadd.f32 $1.000000000e+00, s13  }
0x179: {  	s4 =	smul.f32 s7, s4;
	s19 =	ssub.f32 $2.000000000e+00, s17  }
0x17a: {  	s8 =	ssub.f32 $2.000000000e+00, s8;
	s31 =	smul.f32 s13, s15  }
0x17b: {  	s7 =	smul.f32 s19, s30  }
0x17c: {  	s6 =	smul.f32 s8, s6;
	s20 =	ssub.f32 $2.000000000e+00, s31  }
0x17d: {  	s21 =	smul.f32 s7, s14  }
0x17e: {  	s8 =	smul.f32 s20, s15  }
0x17f: {  	s23 =	smul.f32 s4, s9;
	s15 =	ssub.f32 $2.000000000e+00, s21  }
0x180: {  	s22 =	smul.f32 s8, s13  }
0x181: {  	s7 =	smul.f32 s15, s7  }
0x182: {  	s24 =	smul.f32 s6, s12;
	s16 =	ssub.f32 $2.000000000e+00, s22  }
0x183: {  	s25 =	ssub.f32 $2.000000000e+00, s23;
	s26 =	smul.f32 s7, s14  }
0x184: {  	s8 =	smul.f32 s16, s8  }
0x185: {  	s4 =	smul.f32 s25, s4;
	s30 =	ssub.f32 $2.000000000e+00, s26  }
0x186: {  	s29 =	smul.f32 s8, s13  }
0x187: {  	s7 =	smul.f32 s30, s7  }
0x188: {  	s9 =	smul.f32 s4, s9;
	s31 =	ssub.f32 $2.000000000e+00, s29  }
0x189: {  	s28 =	ssub.f32 $2.000000000e+00, s24;
	s15 =	smul.f32 s7, s14  }
0x18a: {  	s10 =	sadd.f32 s10, s10;
	s8 =	smul.f32 s31, s8  }
0x18b: {  	s6 =	smul.f32 s28, s6;
	s15 =	ssub.f32 $2.000000000e+00, s15  }
0x18c: {  	s23 =	sld [smem:$0xA9];
	s16 =	smul.f32 s8, s13  }
0x18d: {  	s25 =	sld [smem:$0xAE];
	s7 =	smul.f32 s15, s7  }
0x18e: {  	s12 =	smul.f32 s6, s12;
	s16 =	ssub.f32 $2.000000000e+00, s16  }
0x18f: {  	s9 =	ssub.f32 $2.000000000e+00, s9;
	s15 =	smul.f32 s7, s14  }
0x190: {  	s24 =	sld [smem:$0x115];
	s8 =	smul.f32 s16, s8  }
0x191: {  	s4 =	smul.f32 s9, s4;
	s17 =	ssub.f32 $2.000000000e+00, s15  }
0x192: {  	s12 =	ssub.f32 $2.000000000e+00, s12;
	s16 =	smul.f32 s8, s13  }
0x193: {  	s4 =	sadd.f32 s4, s4;
	s7 =	smul.f32 s17, s7  }
0x194: {  	s6 =	smul.f32 s12, s6;
	s18 =	ssub.f32 $2.000000000e+00, s16  }
0x195: {  	s19 =	ssub.f32 $1.000000000e+00, s10;
	s20 =	smul.f32 s7, s14  }
0x196: {  	s4 =	ssub.f32 $1.000000000e+00, s4;
	s8 =	smul.f32 s18, s8  }
0x197: {  	s6 =	sadd.f32 s6, s6  }
0x198: {  	s10 =	ssub.f32 $2.000000000e+00, s20;
	s12 =	smul.f32 s8, s13  }
0x199: {  	s21 =	ssub.f32 $1.000000000e+00, s6  }
0x19a: {  	s7 =	smul.f32 s10, s7;
	s12 =	ssub.f32 $2.000000000e+00, s12  }
0x19b: {  	s6 =	smul.f32 s4, s2;
	s30 =	sld [smem:$0xB3]  }
0x19c: {  	s7 =	sadd.f32 s7, s7;
	s22 =	smul.f32 s12, s8  }
0x19d: {  	s31 =	sld [smem:$0xB8];
	s8 =	smul.f32 s19, s1  }
0x19e: {  	s26 =	ssub.f32 $1.000000000e+00, s7;
	s1 =	smul.f32 s6, s25  }
0x19f: {  	s12 =	sadd.f32 s22, s22;
	s29 =	smul.f32 s8, s23  }
0x1a0: {  	s4 =	smul.f32 s26, s11;
	s11 =	sld [smem:$0xBD]  }
0x1a1: {  	s7 =	smul.f32 s21, s3;
	s13 =	sadd.f32 s29, s24  }
0x1a2: {  	s28 =	ssub.f32 $1.000000000e+00, s12  }
0x1a3: {  	s10 =	smul.f32 s7, s30;
	s1 =	sadd.f32 s1, s13  }
0x1a4: {  	s12 =	smul.f32 s4, s31  }
0x1a5: {  	s5 =	smul.f32 s28, s5;
	s1 =	sadd.f32 s10, s1  }
0x1a6: {  	_ = 	snop  }
0x1a7: {  	s13 =	smul.f32 s5, s11;
	s1 =	sadd.f32 s12, s1  }
0x1a8: {  	_ = 	snop  }
0x1a9: {  	s2 =	sadd.f32 s13, s1;
	_ =	sdelay $0x1  }
0x1aa: {  	p0 =	sge.f32 s2, $0.0e+00  }
0x1ab: {  	s1 =	simm.f32 $1.000000000e+00  }
0x1ac: {  	s1 =	simm.s32 @!p0 $0xBF800000  }
0x1ad: {  	s14 =	sadd.f32 s1, s1;
	_ =	sdelay $0x1  }
0x1ae: {  	s2 =	smul.f32 s14, s2;
	_ =	sdelay $0x1  }
0x1af: {  	p0 =	sgt.f32 s2, $1.700000000e+01;
	_ =	sdelay $0x1  }
0x1b0: {  	s2 =	simm.s32 @p0 $0x41880000  }
0x1b1: {  	s2 =	smul.f32 $1.442695020e+00, s2;
	_ =	sdelay $0x1  }
0x1b2: {  	s15 =	sadd.f32 $5.000000000e-01, s2;
	_ =	sdelay $0x1  }
0x1b3: {  	s3 =	scvt.f32.s32 s15;
	_ =	sdelay $0x1  }
0x1b4: {  	s16 =	scvt.s32.f32 s3;
	_ =	sdelay $0x1  }
0x1b5: {  	s2 =	ssub.f32 s2, s16  }
0x1b6: {  	s20 =	sld [smem:$0xAF]  }
0x1b7: {  	s25 =	sld [smem:$0xB9];
	s2 =	smul.f32 $6.931471820e-01, s2  }
0x1b8: {  	s18 =	sld [smem:$0xAA]  }
0x1b9: {  	s17 =	smul.f32 $8.333333770e-03, s2  }
0x1ba: {  	s19 =	sld [smem:$0x116];
	s23 =	smul.f32 s6, s20  }
0x1bb: {  	s28 =	smul.f32 s4, s25;
	s9 =	sadd.f32 $4.166666790e-02, s17  }
0x1bc: {  	s22 =	sld [smem:$0xB4];
	s10 =	smul.f32 s8, s18  }
0x1bd: {  	s26 =	sld [smem:$0xBE];
	s11 =	simm.f32 $1.000000000e+00;
	s9 =	smul.f32 s9, s2  }
0x1be: {  	s13 =	simm.f32 $2.000000000e+00;
	s15 =	simm.f32 $5.000000000e-01;
	s21 =	sand.u32 $0x1, s3  }
0x1bf: {  	s24 =	sand.u32 $0x2, s3;
	p0 =	seq.s32 s21, $0x1;
	s9 =	sadd.f32 $1.666666720e-01, s9  }
0x1c0: {  	s29 =	sand.u32 $0x4, s3;
	p1 =	seq.s32 s24, $0x0;
	s13 =	simm.s32 @!p0 $0x3F800000  }
0x1c1: {  	s15 =	simm.s32 @!p0 $0x3F800000;
	s11 =	simm.s32 @!p1 $0x40800000;
	s9 =	smul.f32 s9, s2  }
0x1c2: {  	p0 =	seq.s32 s29, $0x0;
	s11 =	smul.f32 s11, s13;
	s13 =	simm.f32 $1.000000000e+00  }
0x1c3: {  	s30 =	smul.f32 s5, s26;
	s13 =	simm.s32 @!p0 $0x41800000;
	s9 =	sadd.f32 $5.000000000e-01, s9  }
0x1c4: {  	s14 =	simm.f32 $1.000000000e+00;
	s16 =	simm.f32 $1.000000000e+00;
	s11 =	smul.f32 s11, s13  }
0x1c5: {  	s16 =	simm.s32 @!p1 $0x3E800000;
	s13 =	sand.u32 $0x8, s3;
	s9 =	smul.f32 s9, s2  }
0x1c6: {  	s14 =	simm.s32 @!p0 $0x3D800000;
	p0 =	seq.s32 s13, $0x0;
	s13 =	simm.f32 $1.000000000e+00  }
0x1c7: {  	s31 =	smul.f32 s16, s15;
	s13 =	simm.s32 @!p0 $0x43800000;
	s9 =	sadd.f32 $1.000000000e+00, s9  }
0x1c8: {  	s10 =	sadd.f32 s10, s19;
	s11 =	smul.f32 s11, s13  }
0x1c9: {  	s9 =	smul.f32 s9, s2  }
0x1ca: {  	s10 =	sadd.f32 s23, s10;
	s13 =	simm.f32 $1.000000000e+00;
	s2 =	smul.f32 s7, s22  }
0x1cb: {  	s3 =	sand.u32 $0x10, s3;
	s12 =	smul.f32 s31, s14;
	s13 =	simm.s32 @!p0 $0x3B800000  }
0x1cc: {  	p0 =	seq.s32 s3, $0x0;
	s3 =	simm.f32 $1.000000000e+00;
	s2 =	sadd.f32 s2, s10  }
0x1cd: {  	s12 =	smul.f32 s12, s13;
	s3 =	simm.s32 @!p0 $0x47800000  }
0x1ce: {  	s3 =	smul.f32 s11, s3;
	s11 =	simm.f32 $1.000000000e+00;
	s2 =	sadd.f32 s28, s2  }
0x1cf: {  	s11 =	simm.s32 @!p0 $0x37800000;
	s9 =	sadd.f32 $1.000000000e+00, s9  }
0x1d0: {  	s12 =	smul.f32 s12, s11;
	s10 =	sadd.f32 s30, s2  }
0x1d1: {  	s3 =	smul.f32 s9, s3  }
0x1d2: {  	p1 =	sge.f32 s10, $0.0e+00  }
0x1d3: {  	s16 =	smul.f32 $5.000000000e-01, s12;
	s2 =	simm.f32 $1.000000000e+00;
	s11 =	sadd.f32 $1.000000000e+00, s3  }
0x1d4: {  	s2 =	simm.s32 @!p1 $0xBF800000  }
0x1d5: {  	s12 =	smul.f32 s11, s16;
	s15 =	sadd.f32 s2, s2  }
0x1d6: {  	_ = 	snop  }
0x1d7: {  	s12 =	ssub.f32 $2.000000000e+00, s12;
	s10 =	smul.f32 s15, s10  }
0x1d8: {  	_ = 	snop  }
0x1d9: {  	s3 =	smul.f32 s12, s16;
	p0 =	sgt.f32 s10, $1.700000000e+01  }
0x1da: {  	s21 =	sld [smem:$0xAB]  }
0x1db: {  	s12 =	smul.f32 s3, s11;
	s10 =	simm.s32 @p0 $0x41880000  }
0x1dc: {  	s23 =	sld [smem:$0x117];
	s10 =	smul.f32 $1.442695020e+00, s10  }
0x1dd: {  	s12 =	ssub.f32 $2.000000000e+00, s12  }
0x1de: {  	s13 =	smul.f32 s8, s21;
	s17 =	sadd.f32 $5.000000000e-01, s10  }
0x1df: {  	s24 =	sld [smem:$0xB0];
	s3 =	smul.f32 s12, s3  }
0x1e0: {  	s25 =	sld [smem:$0xB5];
	s9 =	scvt.f32.s32 s17  }
0x1e1: {  	s13 =	sadd.f32 s13, s23;
	s22 =	smul.f32 s3, s11  }
0x1e2: {  	s28 =	sld [smem:$0xBA];
	s18 =	scvt.s32.f32 s9  }
0x1e3: {  	s26 =	smul.f32 s6, s24;
	s14 =	ssub.f32 $2.000000000e+00, s22  }
0x1e4: {  	s29 =	smul.f32 s7, s25;
	s10 =	ssub.f32 s10, s18  }
0x1e5: {  	s13 =	sadd.f32 s26, s13;
	s3 =	smul.f32 s14, s3  }
0x1e6: {  	s30 =	sld [smem:$0xBF];
	s10 =	smul.f32 $6.931471820e-01, s10  }
0x1e7: {  	s13 =	sadd.f32 s29, s13;
	s14 =	smul.f32 s4, s28  }
0x1e8: {  	s19 =	smul.f32 $8.333333770e-03, s10  }
0x1e9: {  	s16 =	simm.f32 $5.000000000e-01;
	s31 =	smul.f32 s3, s11;
	s13 =	sadd.f32 s14, s13  }
0x1ea: {  	s15 =	simm.f32 $2.000000000e+00;
	s20 =	sadd.f32 $4.166666790e-02, s19;
	s19 =	smul.f32 s5, s30  }
0x1eb: {  	s23 =	sand.u32 $0x1, s9;
	s24 =	sand.u32 $0x2, s9;
	s17 =	ssub.f32 $2.000000000e+00, s31  }
0x1ec: {  	s26 =	sand.u32 $0x4, s9;
	p1 =	seq.s32 s23, $0x1;
	s13 =	sadd.f32 s19, s13  }
0x1ed: {  	s28 =	sand.u32 $0x8, s9;
	s15 =	simm.s32 @!p1 $0x3F800000;
	s12 =	smul.f32 s20, s10  }
0x1ee: {  	s16 =	simm.s32 @!p1 $0x3F800000;
	s20 =	smul.f32 s17, s3;
	p0 =	sge.f32 s13, $0.0e+00  }
0x1ef: {  	s3 =	simm.f32 $1.000000000e+00;
	s17 =	simm.f32 $1.000000000e+00;
	s12 =	sadd.f32 $1.666666720e-01, s12  }
0x1f0: {  	s22 =	smul.f32 s20, s11;
	s3 =	simm.s32 @!p0 $0xBF800000;
	p0 =	seq.s32 s24, $0x0  }
0x1f1: {  	s19 =	simm.f32 $1.000000000e+00;
	s12 =	smul.f32 s12, s10;
	s17 =	simm.s32 @!p0 $0x40800000  }
0x1f2: {  	s25 =	sadd.f32 s3, s3;
	s19 =	simm.s32 @!p0 $0x3E800000;
	s15 =	smul.f32 s17, s15  }
0x1f3: {  	s9 =	sand.u32 $0x10, s9;
	s12 =	sadd.f32 $5.000000000e-01, s12;
	s16 =	smul.f32 s19, s16  }
0x1f4: {  	p0 =	seq.s32 s26, $0x0;
	s17 =	simm.f32 $1.000000000e+00;
	s13 =	smul.f32 s25, s13  }
0x1f5: {  	s14 =	ssub.f32 $2.000000000e+00, s22;
	s17 =	simm.s32 @!p0 $0x41800000;
	s18 =	smul.f32 s12, s10  }
0x1f6: {  	s15 =	smul.f32 s15, s17;
	s17 =	simm.f32 $1.000000000e+00;
	p1 =	sgt.f32 s13, $1.700000000e+01  }
0x1f7: {  	s17 =	simm.s32 @!p0 $0x3D800000;
	p0 =	seq.s32 s28, $0x0;
	s21 =	sadd.f32 $1.000000000e+00, s18  }
0x1f8: {  	s16 =	smul.f32 s16, s17;
	s18 =	simm.f32 $1.000000000e+00;
	s13 =	simm.s32 @p1 $0x41880000  }
0x1f9: {  	s18 =	simm.s32 @!p0 $0x3B800000;
	s29 =	smul.f32 $1.442695020e+00, s13;
	s13 =	simm.f32 $1.000000000e+00  }
0x1fa: {  	s10 =	smul.f32 s21, s10;
	s13 =	simm.s32 @!p0 $0x43800000;
	p0 =	seq.s32 s9, $0x0  }
0x1fb: {  	s9 =	simm.f32 $1.000000000e+00;
	s30 =	sadd.f32 $5.000000000e-01, s29;
	s15 =	smul.f32 s15, s13  }
0x1fc: {  	s22 =	sld [smem:$0xAC];
	s16 =	smul.f32 s16, s18;
	s9 =	simm.s32 @!p0 $0x47800000  }
0x1fd: {  	s13 =	scvt.f32.s32 s30;
	s9 =	smul.f32 s15, s9;
	s15 =	simm.f32 $1.000000000e+00  }
0x1fe: {  	s10 =	sadd.f32 $1.000000000e+00, s10;
	s15 =	simm.s32 @!p0 $0x37800000  }
0x1ff: {  	s17 =	scvt.s32.f32 s13;
	s15 =	smul.f32 s16, s15  }
0x200: {  	s30 =	sld [smem:$0xC0];
	s9 =	smul.f32 s10, s9  }
0x201: {  	s12 =	smul.f32 s14, s20;
	s17 =	ssub.f32 s29, s17  }
0x202: {  	s10 =	sadd.f32 $1.000000000e+00, s9;
	s31 =	smul.f32 $5.000000000e-01, s15  }
0x203: {  	s24 =	sld [smem:$0x118];
	s16 =	smul.f32 $6.931471820e-01, s17  }
0x204: {  	s26 =	sld [smem:$0xB6];
	s23 =	smul.f32 s10, s31  }
0x205: {  	s25 =	sld [smem:$0xB1];
	s17 =	smul.f32 $8.333333770e-03, s16  }
0x206: {  	s19 =	smul.f32 s5, s30;
	s18 =	ssub.f32 $2.000000000e+00, s23  }
0x207: {  	s21 =	sadd.f32 $4.166666790e-02, s17;
	s17 =	smul.f32 s8, s22  }
0x208: {  	s29 =	sld [smem:$0xBB];
	s9 =	smul.f32 s18, s31  }
0x209: {  	s30 =	sld [smem:$0xAD];
	s15 =	smul.f32 s21, s16  }
0x20a: {  	s28 =	smul.f32 s6, s25;
	s17 =	sadd.f32 s17, s24  }
0x20b: {  	s31 =	smul.f32 s9, s10;
	s15 =	sadd.f32 $1.666666720e-01, s15  }
0x20c: {  	s14 =	smul.f32 s7, s26;
	s17 =	sadd.f32 s28, s17  }
0x20d: {  	s11 =	smul.f32 s12, s11;
	s21 =	ssub.f32 $2.000000000e+00, s31  }
0x20e: {  	s20 =	simm.f32 $1.000000000e+00;
	s31 =	sld [smem:$0x119];
	s15 =	smul.f32 s15, s16  }
0x20f: {  	s25 =	sand.u32 $0x4, s13;
	s18 =	smul.f32 s4, s29;
	s14 =	sadd.f32 s14, s17  }
0x210: {  	s22 =	sand.u32 $0x1, s13;
	s8 =	smul.f32 s30, s8;
	s15 =	sadd.f32 $5.000000000e-01, s15  }
0x211: {  	p0 =	seq.s32 s22, $0x1;
	s24 =	sand.u32 $0x2, s13;
	s17 =	sadd.f32 s18, s14  }
0x212: {  	s28 =	sand.u32 $0x8, s13;
	s13 =	sand.u32 $0x10, s13;
	s14 =	smul.f32 s21, s9  }
0x213: {  	s18 =	simm.f32 $5.000000000e-01;
	s15 =	smul.f32 s15, s16;
	s17 =	sadd.f32 s19, s17  }
0x214: {  	s9 =	simm.f32 $1.000000000e+00;
	s8 =	sadd.f32 s8, s31;
	s18 =	simm.s32 @!p0 $0x3F800000  }
0x215: {  	s23 =	sadd.f32 $1.000000000e+00, s15;
	s15 =	simm.f32 $2.000000000e+00;
	p1 =	sge.f32 s17, $0.0e+00  }
0x216: {  	s19 =	simm.f32 $1.000000000e+00;
	s15 =	simm.s32 @!p0 $0x3F800000;
	p0 =	seq.s32 s24, $0x0  }
0x217: {  	s16 =	smul.f32 s23, s16;
	s19 =	simm.s32 @!p0 $0x40800000;
	s9 =	simm.s32 @!p1 $0xBF800000  }
0x218: {  	s23 =	sld [smem:$0xB2];
	s15 =	smul.f32 s19, s15;
	s19 =	simm.f32 $1.000000000e+00  }
0x219: {  	s24 =	smul.f32 s14, s10;
	s26 =	sadd.f32 s9, s9;
	s19 =	simm.s32 @!p0 $0x3E800000  }
0x21a: {  	p0 =	seq.s32 s25, $0x0;
	s16 =	sadd.f32 $1.000000000e+00, s16;
	s18 =	smul.f32 s19, s18  }
0x21b: {  	s25 =	sld [smem:$0xB7];
	s19 =	simm.f32 $1.000000000e+00;
	s17 =	smul.f32 s26, s17  }
0x21c: {  	s20 =	simm.s32 @!p0 $0x3D800000;
	s19 =	simm.s32 @!p0 $0x41800000;
	s26 =	smul.f32 s6, s23  }
0x21d: {  	p0 =	seq.s32 s28, $0x0;
	s15 =	smul.f32 s15, s19;
	s19 =	simm.f32 $1.000000000e+00  }
0x21e: {  	p1 =	sgt.f32 s17, $1.700000000e+01;
	s18 =	smul.f32 s18, s20;
	s19 =	simm.s32 @!p0 $0x43800000  }
0x21f: {  	s20 =	simm.f32 $1.000000000e+00;
	s15 =	smul.f32 s15, s19;
	s19 =	simm.f32 $1.000000000e+00  }
0x220: {  	s7 =	smul.f32 s7, s25;
	s17 =	simm.s32 @p1 $0x41880000;
	s19 =	simm.s32 @!p0 $0x3B800000  }
0x221: {  	s17 =	smul.f32 $1.442695020e+00, s17;
	p0 =	seq.s32 s13, $0x0;
	s13 =	simm.f32 $1.000000000e+00  }
0x222: {  	s8 =	sadd.f32 s26, s8;
	s18 =	smul.f32 s18, s19;
	s13 =	simm.s32 @!p0 $0x47800000  }
0x223: {  	s20 =	simm.s32 @!p0 $0x37800000;
	s29 =	sadd.f32 $5.000000000e-01, s17;
	s15 =	smul.f32 s15, s13  }
0x224: {  	s18 =	smul.f32 s18, s20;
	s20 =	ssub.f32 $2.000000000e+00, s24  }
0x225: {  	s13 =	scvt.f32.s32 s29;
	s29 =	sld [smem:$0xBC]  }
0x226: {  	s31 =	smul.f32 s20, s14;
	s20 =	sld [smem:$0xC1]  }
0x227: {  	s15 =	smul.f32 s16, s15;
	s22 =	scvt.s32.f32 s13  }
0x228: {  	s7 =	sadd.f32 s7, s8;
	s28 =	smul.f32 $5.000000000e-01, s18  }
0x229: {  	s17 =	ssub.f32 s17, s22;
	s4 =	smul.f32 s4, s29  }
0x22a: {  	s6 =	sadd.f32 $1.000000000e+00, s15;
	s23 =	smul.f32 s5, s20  }
0x22b: {  	s15 =	smul.f32 $6.931471820e-01, s17;
	s4 =	sadd.f32 s4, s7  }
0x22c: {  	s21 =	smul.f32 s6, s28  }
0x22d: {  	s30 =	smul.f32 $8.333333770e-03, s15;
	s7 =	sadd.f32 s23, s4  }
0x22e: {  	s25 =	smul.f32 s31, s10;
	s22 =	ssub.f32 $2.000000000e+00, s21  }
0x22f: {  	s18 =	sadd.f32 $4.166666790e-02, s30;
	p0 =	sge.f32 s7, $0.0e+00  }
0x230: {  	s11 =	ssub.f32 $2.000000000e+00, s11;
	s26 =	smul.f32 s22, s28;
	s4 =	simm.f32 $1.000000000e+00  }
0x231: {  	s18 =	smul.f32 s18, s15;
	s4 =	simm.s32 @!p0 $0xBF800000  }
0x232: {  	s5 =	smul.f32 s11, s12;
	s29 =	sadd.f32 s4, s4  }
0x233: {  	s16 =	smul.f32 s26, s6;
	s24 =	sadd.f32 $1.666666720e-01, s18  }
0x234: {  	s8 =	simm.f32 $1.000000000e+00;
	s7 =	smul.f32 s29, s7  }
0x235: {  	s14 =	simm.f32 $2.000000000e+00;
	s12 =	ssub.f32 $2.000000000e+00, s25;
	s11 =	smul.f32 s24, s15  }
0x236: {  	s19 =	sand.u32 $0x2, s13;
	s20 =	sand.u32 $0x4, s13;
	s30 =	ssub.f32 $2.000000000e+00, s16  }
0x237: {  	s18 =	sand.u32 $0x1, s13;
	p1 =	sgt.f32 s7, $1.700000000e+01;
	s28 =	sadd.f32 $5.000000000e-01, s11  }
0x238: {  	s16 =	simm.f32 $5.000000000e-01;
	p0 =	seq.s32 s18, $0x1;
	s11 =	smul.f32 s12, s31  }
0x239: {  	s14 =	simm.s32 @!p0 $0x3F800000;
	s7 =	simm.s32 @p1 $0x41880000;
	s31 =	smul.f32 s28, s15  }
0x23a: {  	s16 =	simm.s32 @!p0 $0x3F800000;
	p1 =	seq.s32 s19, $0x0;
	s7 =	smul.f32 $1.442695020e+00, s7  }
0x23b: {  	p0 =	seq.s32 s20, $0x0;
	s8 =	simm.s32 @!p1 $0x40800000;
	s17 =	sadd.f32 $1.000000000e+00, s31  }
0x23c: {  	s14 =	smul.f32 s8, s14;
	s8 =	simm.f32 $1.000000000e+00;
	s21 =	sadd.f32 $5.000000000e-01, s7  }
0x23d: {  	s8 =	simm.s32 @!p1 $0x3E800000;
	s15 =	smul.f32 s17, s15;
	s17 =	simm.f32 $1.000000000e+00  }
0x23e: {  	s16 =	smul.f32 s8, s16;
	s8 =	scvt.f32.s32 s21;
	s17 =	simm.s32 @!p0 $0x41800000  }
0x23f: {  	s22 =	sand.u32 $0x8, s13;
	s14 =	smul.f32 s14, s17;
	s17 =	simm.f32 $1.000000000e+00  }
0x240: {  	s12 =	smul.f32 s30, s26;
	s23 =	scvt.s32.f32 s8;
	s17 =	simm.s32 @!p0 $0x3D800000  }
0x241: {  	p0 =	seq.s32 s22, $0x0;
	s16 =	smul.f32 s16, s17;
	s17 =	simm.f32 $1.000000000e+00  }
0x242: {  	s28 =	smul.f32 s11, s10;
	s7 =	ssub.f32 s7, s23;
	s17 =	simm.s32 @!p0 $0x43800000  }
0x243: {  	s14 =	smul.f32 s14, s17;
	s17 =	simm.f32 $1.000000000e+00  }
0x244: {  	s13 =	sand.u32 $0x10, s13;
	s24 =	smul.f32 $6.931471820e-01, s7;
	s17 =	simm.s32 @!p0 $0x3B800000  }
0x245: {  	p0 =	seq.s32 s13, $0x0;
	s13 =	simm.f32 $1.000000000e+00;
	s25 =	smul.f32 s16, s17  }
0x246: {  	s26 =	smul.f32 $8.333333770e-03, s24;
	s13 =	simm.s32 @!p0 $0x47800000;
	s17 =	ssub.f32 $2.000000000e+00, s28  }
0x247: {  	s13 =	smul.f32 s14, s13;
	s14 =	simm.f32 $1.000000000e+00  }
0x248: {  	s15 =	sadd.f32 $1.000000000e+00, s15;
	s14 =	simm.s32 @!p0 $0x37800000;
	s11 =	smul.f32 s17, s11  }
0x249: {  	s16 =	sadd.f32 $4.166666790e-02, s26;
	s14 =	smul.f32 s25, s14  }
0x24a: {  	s13 =	smul.f32 s15, s13  }
0x24b: {  	s16 =	smul.f32 s16, s24  }
0x24c: {  	s10 =	smul.f32 s11, s10  }
0x24d: {  	s7 =	sadd.f32 $1.000000000e+00, s13;
	s31 =	smul.f32 $5.000000000e-01, s14  }
0x24e: {  	s29 =	sadd.f32 $1.666666720e-01, s16;
	s16 =	smul.f32 s12, s6  }
0x24f: {  	s10 =	ssub.f32 $2.000000000e+00, s10;
	s19 =	smul.f32 s7, s31  }
0x250: {  	s30 =	smul.f32 s29, s24;
	s14 =	ssub.f32 $2.000000000e+00, s16  }
0x251: {  	s10 =	smul.f32 s10, s11;
	s17 =	ssub.f32 $2.000000000e+00, s19  }
0x252: {  	s21 =	sand.u32 $0x1, s8;
	s15 =	sadd.f32 $5.000000000e-01, s30;
	s12 =	smul.f32 s14, s12  }
0x253: {  	s22 =	sand.u32 $0x2, s8;
	p0 =	seq.s32 s21, $0x1;
	s13 =	smul.f32 s17, s31  }
0x254: {  	s16 =	simm.f32 $2.000000000e+00;
	s17 =	simm.f32 $5.000000000e-01;
	s15 =	smul.f32 s15, s24  }
0x255: {  	s16 =	simm.s32 @!p0 $0x3F800000;
	s17 =	simm.s32 @!p0 $0x3F800000;
	p0 =	seq.s32 s22, $0x0  }
0x256: {  	s28 =	smul.f32 s12, s6;
	s20 =	sadd.f32 $1.000000000e+00, s15;
	s15 =	simm.f32 $1.000000000e+00  }
0x257: {  	s18 =	simm.f32 $1.000000000e+00;
	s26 =	smul.f32 s13, s7;
	s15 =	simm.s32 @!p0 $0x40800000  }
0x258: {  	s23 =	sand.u32 $0x4, s8;
	s15 =	smul.f32 s15, s16;
	s16 =	simm.f32 $1.000000000e+00  }
0x259: {  	s14 =	smul.f32 s20, s24;
	s16 =	simm.s32 @!p0 $0x3E800000;
	p0 =	seq.s32 s23, $0x0  }
0x25a: {  	s16 =	smul.f32 s16, s17;
	s18 =	simm.s32 @!p0 $0x41800000  }
0x25b: {  	s24 =	sand.u32 $0x8, s8;
	s17 =	simm.f32 $1.000000000e+00;
	s15 =	smul.f32 s15, s18  }
0x25c: {  	s17 =	simm.s32 @!p0 $0x3D800000;
	p0 =	seq.s32 s24, $0x0;
	s18 =	simm.f32 $1.000000000e+00  }
0x25d: {  	s16 =	smul.f32 s16, s17;
	s18 =	simm.s32 @!p0 $0x43800000  }
0x25e: {  	s8 =	sand.u32 $0x10, s8;
	s17 =	simm.f32 $1.000000000e+00;
	s15 =	smul.f32 s15, s18  }
0x25f: {  	s17 =	simm.s32 @!p0 $0x3B800000;
	p0 =	seq.s32 s8, $0x0;
	s8 =	simm.f32 $1.000000000e+00  }
0x260: {  	s18 =	simm.f32 $1.000000000e+00;
	s16 =	smul.f32 s16, s17;
	s8 =	simm.s32 @!p0 $0x47800000  }
0x261: {  	s14 =	sadd.f32 $1.000000000e+00, s14;
	s18 =	simm.s32 @!p0 $0x37800000;
	s8 =	smul.f32 s15, s8  }
0x262: {  	s25 =	smul.f32 s16, s18  }
0x263: {  	s16 =	ssub.f32 $2.000000000e+00, s28;
	s8 =	smul.f32 s14, s8  }
0x264: {  	s14 =	ssub.f32 $2.000000000e+00, s26;
	s15 =	smul.f32 $5.000000000e-01, s25  }
0x265: {  	s12 =	smul.f32 s16, s12;
	s8 =	sadd.f32 $1.000000000e+00, s8  }
0x266: {  	s13 =	smul.f32 s14, s13  }
0x267: {  	s5 =	sadd.f32 s5, s5;
	s29 =	smul.f32 s8, s15  }
0x268: {  	s10 =	sadd.f32 s10, s10;
	s31 =	smul.f32 s13, s7  }
0x269: {  	s30 =	ssub.f32 $2.000000000e+00, s29  }
0x26a: {  	s19 =	smul.f32 s12, s6;
	s17 =	ssub.f32 $2.000000000e+00, s31  }
0x26b: {  	s5 =	ssub.f32 $1.000000000e+00, s5;
	s14 =	smul.f32 s30, s15  }
0x26c: {  	s10 =	ssub.f32 $1.000000000e+00, s10;
	s13 =	smul.f32 s17, s13  }
0x26d: {  	s15 =	ssub.f32 $2.000000000e+00, s19;
	s18 =	smul.f32 s14, s8  }
0x26e: {  	s31 =	sld [smem:$0x11A];
	s20 =	smul.f32 s13, s7  }
0x26f: {  	s30 =	sld [smem:$0xC2];
	s12 =	smul.f32 s15, s12  }
0x270: {  	s16 =	ssub.f32 $2.000000000e+00, s18  }
0x271: {  	s21 =	ssub.f32 $2.000000000e+00, s20;
	s6 =	smul.f32 s12, s6  }
0x272: {  	s17 =	sld [smem:$0xCC];
	s14 =	smul.f32 s16, s14  }
0x273: {  	s20 =	sld [smem:$0xD1];
	s11 =	smul.f32 s21, s13  }
0x274: {  	s6 =	ssub.f32 $2.000000000e+00, s6;
	s16 =	smul.f32 s14, s8  }
0x275: {  	s21 =	sld [smem:$0xC3];
	s23 =	smul.f32 s11, s7  }
0x276: {  	s6 =	smul.f32 s6, s12;
	s22 =	ssub.f32 $2.000000000e+00, s16  }
0x277: {  	s24 =	ssub.f32 $2.000000000e+00, s23  }
0x278: {  	s5 =	smul.f32 s5, s1;
	s6 =	sadd.f32 s6, s6  }
0x279: {  	s23 =	sld [smem:$0xC8]  }
0x27a: {  	s16 =	smul.f32 s5, s30;
	s30 =	sld [smem:$0x11C]  }
0x27b: {  	s6 =	ssub.f32 $1.000000000e+00, s6  }
0x27c: {  	s13 =	smul.f32 s22, s14;
	s14 =	sld [smem:$0xC7]  }
0x27d: {  	s2 =	smul.f32 s10, s2;
	s22 =	sld [smem:$0x11B]  }
0x27e: {  	s11 =	smul.f32 s24, s11;
	s24 =	sld [smem:$0xD6]  }
0x27f: {  	s1 =	smul.f32 s6, s3;
	s6 =	sadd.f32 s16, s31  }
0x280: {  	s25 =	smul.f32 s13, s8;
	s31 =	sld [smem:$0xC9]  }
0x281: {  	s7 =	smul.f32 s11, s7;
	s16 =	sld [smem:$0xD8]  }
0x282: {  	s26 =	ssub.f32 $2.000000000e+00, s25  }
0x283: {  	s7 =	ssub.f32 $2.000000000e+00, s7;
	s10 =	smul.f32 s2, s14  }
0x284: {  	s19 =	smul.f32 s1, s17;
	s14 =	sld [smem:$0xCE]  }
0x285: {  	s17 =	sld [smem:$0xC5];
	s13 =	smul.f32 s26, s13  }
0x286: {  	s7 =	smul.f32 s7, s11;
	s18 =	sadd.f32 s6, s10  }
0x287: {  	s26 =	sld [smem:$0xCD];
	s12 =	smul.f32 s2, s31  }
0x288: {  	s31 =	sld [smem:$0xD9];
	s28 =	smul.f32 s13, s8  }
0x289: {  	s7 =	sadd.f32 s7, s7  }
0x28a: {  	s29 =	ssub.f32 $2.000000000e+00, s28  }
0x28b: {  	s6 =	sadd.f32 s18, s19  }
0x28c: {  	s18 =	sld [smem:$0x11D];
	s11 =	smul.f32 s29, s13  }
0x28d: {  	s19 =	sld [smem:$0xCA]  }
0x28e: {  	s7 =	ssub.f32 $1.000000000e+00, s7;
	s8 =	smul.f32 s11, s8  }
0x28f: {  	s28 =	sld [smem:$0xD2]  }
0x290: {  	s15 =	ssub.f32 $2.000000000e+00, s8  }
0x291: {  	s10 =	smul.f32 s1, s26;
	s26 =	sld [smem:$0xC6]  }
0x292: {  	s29 =	sld [smem:$0xC4];
	s3 =	smul.f32 s15, s11  }
0x293: {  	s13 =	sld [smem:$0xD7]  }
0x294: {  	s11 =	sadd.f32 s3, s3;
	s3 =	smul.f32 s7, s9  }
0x295: {  	s15 =	sld [smem:$0xD3];
	s7 =	smul.f32 s5, s21  }
0x296: {  	s21 =	smul.f32 s5, s17;
	s17 =	sld [smem:$0xD5]  }
0x297: {  	s25 =	smul.f32 s2, s23;
	s11 =	ssub.f32 $1.000000000e+00, s11  }
0x298: {  	s8 =	smul.f32 s3, s20;
	s7 =	sadd.f32 s7, s22  }
0x299: {  	s9 =	smul.f32 s3, s28;
	s28 =	sld [smem:$0x11E]  }
0x29a: {  	s6 =	sadd.f32 s6, s8  }
0x29b: {  	s7 =	sadd.f32 s7, s25;
	s4 =	smul.f32 s11, s4  }
0x29c: {  	s11 =	smul.f32 s5, s29;
	s25 =	sld [smem:$0xCF]  }
0x29d: {  	s29 =	sld [smem:$0xCB];
	s5 =	smul.f32 s5, s26  }
0x29e: {  	s8 =	smul.f32 s4, s24;
	s7 =	sadd.f32 s7, s10  }
0x29f: {  	s22 =	smul.f32 s4, s16;
	s16 =	sld [smem:$0xD0]  }
0x2a0: {  	s5 =	sadd.f32 s5, s28  }
0x2a1: {  	s6 =	sadd.f32 s6, s8  }
0x2a2: {  	s7 =	sadd.f32 s7, s9  }
0x2a3: {  	s8 =	sadd.f32 s11, s30  }
0x2a4: {  	s10 =	smul.f32 s4, s13;
	s30 =	sld [smem:$0xD4]  }
0x2a5: {  	s23 =	smul.f32 s2, s19;
	s8 =	sadd.f32 s8, s12  }
0x2a6: {  	s2 =	smul.f32 s2, s29;
	s7 =	sadd.f32 s7, s10  }
0x2a7: {  	s10 =	sadd.f32 s21, s18  }
0x2a8: {  	s2 =	sadd.f32 s5, s2  }
0x2a9: {  	s9 =	smul.f32 s1, s14;
	s18 =	sld [smem:$0xDA]  }
0x2aa: {  	[smem:$0x190] =	sst s6  }
0x2ab: {  	s8 =	sadd.f32 s8, s9  }
0x2ac: {  	s20 =	smul.f32 s3, s15;
	s24 =	sadd.f32 s10, s23  }
0x2ad: {  	s10 =	smul.f32 s1, s25;
	[smem:$0x191] =	sst s7  }
0x2ae: {  	s1 =	smul.f32 s1, s16;
	s8 =	sadd.f32 s8, s20  }
0x2af: {  	s9 =	sadd.f32 s24, s10  }
0x2b0: {  	s19 =	smul.f32 s3, s30;
	s1 =	sadd.f32 s2, s1  }
0x2b1: {  	s20 =	smul.f32 s3, s17;
	s8 =	sadd.f32 s8, s22  }
0x2b2: {  	s21 =	sadd.f32 s9, s19;
	s22 =	smul.f32 s4, s31  }
0x2b3: {  	s23 =	smul.f32 s4, s18;
	s1 =	sadd.f32 s1, s20  }
0x2b4: {  	s3 =	sadd.f32 s21, s22  }
0x2b5: {  	s1 =	sadd.f32 s1, s23  }
0x2b6: {  	[smem:$0x192] =	sst s8  }
0x2b7: {  	[smem:$0x193] =	sst s3  }
0x2b8: {  	s24 =	simm.s32 $0x0;
	[smem:$0x194] =	sst s1  }
0x2b9: {  	[smem:$0x195] =	sst s24  }
0x2ba: {  	[smem:$0x196] =	sst s24  }
0x2bb: {  	s26 =	simm.s32 $0xA;
	s25 =	simm.s32 $0x190;
	[smem:$0x197] =	sst s24  }
0x2bc: {  	[hbm:s0], [sflag:s26] =	dma.local [smem:s25], $0x10  }
0x2bd: {  	_ =	swait.ge [sflag:s26], $0x10  }
0x2be: {  	[sflag:s26] =	ssyncset.done $0x0  }
0x2bf: {  	[sflag:s26] =	ssyncadd.s32 $0xFFFFFFF0  }
0x2c0: {  	_ =	strace $0x90000046  }
0x2c1: {  	_ =	sfence  }
0x2c2: {  	s28 =	sld [smem:$0x0];
	_ =	sdelay $0x1  }
0x2c3: {  	s29 =	srdreg.scid  }
0x2c4: {  	s30 =	sshll.u32 s29, $0xD;
	s31 =	sshrl.u32 s29, $0x2  }
0x2c5: {  	s2 =	sand.u32 $0x4000, s30;
	s1 =	sand.u32 $0x1, s29;
	s0 =	sadd.s32 s31, s28  }
0x2c6: {  	s1 =	sor.u32 s2, s1;
	s0 =	sshll.u32 s0, $0x11  }
0x2c7: {  	s0 =	sor.u32 s0, s1  }
0x2c8: {  	s0 =	sadd.s32 $0x8F2B, s0;
	(pc) =	sbr.abs _section_cstart, $3  }
0x2c9: {  	[sflag:s0] =	ssyncadd.remote.s32 $0x1  }
0x2ca: {  	_ =	strace $0x9FFFFFFF  }
0x2cb: {  	(tm) =	ssettm $0x7FFFFFFF  }

</sc_bundles>
